<compile_context>
chip_gen: v7x
topology: tpu7x:2x2x1
jax: 0.10.2.dev20260603
libtpu: 0.0.44.dev20260713+nightly
codegen_flags: <defaults>
</compile_context>

<pallas_src>
import functools

import jax
import jax.numpy as jnp
from jax import lax
from jax.experimental import pallas as pl
from jax.experimental.pallas import tpu as pltpu
from jax.experimental.pallas import tpu_sc as plsc

N = 10000
E = 320000
L = 16
NC = 2
NS = 16
NW = NC * NS
NP = 10240
STR = NP // NS
E1 = E // NS
E2 = E // NW

_sc_mesh = plsc.VectorSubcoreMesh(
    core_axis_name="c", subcore_axis_name="s", num_cores=NC, num_subcores=NS)


def _rsqrt16(v):
  i = plsc.bitcast(v, jnp.int32)
  y = plsc.bitcast(jnp.int32(0x5F3759DF) - (i >> 1), jnp.float32)
  for _ in range(3):
    y = y * (1.5 - 0.5 * v * y * y)
  return y


def _sc_main_body(src_hbm, dst_hbm, ew_hbm, hp_hbm,
                  accp0_hbm, accp1_hbm, dinv_hbm,
                  dstv, ewv, srcv, deg, sbuf, dbuf, h0d, h1d, acc0, acc1,
                  degparts, dinv_sh,
                  sem_a, sem_b, sem_c, sem_d, sem_e):
  cid = lax.axis_index("c")
  sid = lax.axis_index("s")
  wid = cid * NS + sid

  cp_d = pltpu.async_copy(dst_hbm.at[pl.ds(sid * E1, E1)], dstv, sem_a)
  cp_w = pltpu.async_copy(ew_hbm.at[pl.ds(sid * E1, E1)], ewv, sem_b)

  @plsc.parallel_loop(0, NP // L, unroll=4)
  def zero_deg(i):
    deg[pl.ds(i * L, L)] = jnp.zeros((L,), jnp.float32)
  cp_d.wait()
  cp_w.wait()

  @plsc.parallel_loop(0, E1 // L, unroll=4)
  def p1(i):
    d = dstv[pl.ds(i * L, L)]
    w = ewv[pl.ds(i * L, L)]
    plsc.addupdate_scatter(deg, [d], w)

  cp_s = pltpu.async_copy(src_hbm.at[pl.ds(wid * E2, E2)], srcv, sem_a)
  cp_d2 = pltpu.async_copy(dst_hbm.at[pl.ds(wid * E2, E2)],
                           dstv.at[pl.ds(0, E2)], sem_b)
  cp_w2 = pltpu.async_copy(ew_hbm.at[pl.ds(wid * E2, E2)],
                           ewv.at[pl.ds(0, E2)], sem_c)
  cp_h0 = pltpu.async_copy(hp_hbm.at[0], h0d, sem_d)
  cp_h1 = pltpu.async_copy(hp_hbm.at[1], h1d, sem_e)

  pltpu.sync_copy(deg, degparts.at[pl.ds(sid * NP, NP)])
  plsc.subcore_barrier()

  for t in range(NS):
    pltpu.sync_copy(degparts.at[pl.ds(t * NP + sid * STR, STR)],
                    sbuf.at[pl.ds(t * STR, STR)])

  @plsc.parallel_loop(0, STR // L, unroll=2)
  def red(j):
    v = sbuf[pl.ds(j * L, L)]
    for t in range(1, NS):
      v = v + sbuf[pl.ds(t * STR + j * L, L)]
    dbuf[pl.ds(j * L, L)] = _rsqrt16(v + 1.0)

  pltpu.sync_copy(dbuf, dinv_sh.at[pl.ds(sid * STR, STR)])
  plsc.subcore_barrier()

  pltpu.sync_copy(dinv_sh, deg)
  cp_h0.wait()
  cp_h1.wait()

  @plsc.parallel_loop(0, N // L, unroll=4)
  def scale(i):
    sl = pl.ds(i * L, L)
    dv = deg[sl]
    h0d[sl] = h0d[sl] * dv
    h1d[sl] = h1d[sl] * dv
    acc0[sl] = jnp.zeros((L,), jnp.float32)
    acc1[sl] = jnp.zeros((L,), jnp.float32)

  cp_s.wait()
  cp_d2.wait()
  cp_w2.wait()

  @plsc.parallel_loop(0, E2 // L, unroll=4)
  def p2(i):
    s = srcv[pl.ds(i * L, L)]
    d = dstv[pl.ds(i * L, L)]
    w = ewv[pl.ds(i * L, L)]
    m0 = plsc.load_gather(h0d, [s]) * w
    m1 = plsc.load_gather(h1d, [s]) * w
    plsc.addupdate_scatter(acc0, [d], m0)
    plsc.addupdate_scatter(acc1, [d], m1)

  pltpu.sync_copy(acc0, accp0_hbm.at[wid])
  pltpu.sync_copy(acc1, accp1_hbm.at[wid])

  @pl.when(wid == 0)
  def _():
    pltpu.sync_copy(deg.at[pl.ds(0, N)], dinv_hbm)


@functools.partial(
    pl.kernel,
    out_type=(
        jax.ShapeDtypeStruct((NW, N), jnp.float32),
        jax.ShapeDtypeStruct((NW, N), jnp.float32),
        jax.ShapeDtypeStruct((N,), jnp.float32),
    ),
    mesh=_sc_mesh,
    scratch_types=[
        pltpu.VMEM((E1,), jnp.int32),
        pltpu.VMEM((E1,), jnp.float32),
        pltpu.VMEM((E2,), jnp.int32),
        pltpu.VMEM((NP,), jnp.float32),
        pltpu.VMEM((NP,), jnp.float32),
        pltpu.VMEM((STR,), jnp.float32),
        pltpu.VMEM((N,), jnp.float32),
        pltpu.VMEM((N,), jnp.float32),
        pltpu.VMEM((N,), jnp.float32),
        pltpu.VMEM((N,), jnp.float32),
        pltpu.VMEM_SHARED((NS * NP,), jnp.float32),
        pltpu.VMEM_SHARED((NP,), jnp.float32),
        pltpu.SemaphoreType.DMA,
        pltpu.SemaphoreType.DMA,
        pltpu.SemaphoreType.DMA,
        pltpu.SemaphoreType.DMA,
        pltpu.SemaphoreType.DMA,
    ],
    compiler_params=pltpu.CompilerParams(needs_layout_passes=False),
)
def _sc_main(*refs):
  _sc_main_body(*refs)


def _tc_mm_body(w1t_ref, x_ref, hp_ref):
  hp_ref[...] = lax.dot_general(
      w1t_ref[...], x_ref[...], (((1,), (1,)), ((), ())),
      preferred_element_type=jnp.float32)


def _tc_mm(w1t, x):
  return pl.pallas_call(
      _tc_mm_body,
      out_shape=jax.ShapeDtypeStruct((2, N), jnp.float32),
  )(w1t, x)


def _tc_final_body(accp0_ref, accp1_ref, h0_ref, h1_ref, dinv_ref,
                   wfc0_ref, wfc1_ref, b1_ref, bfc_ref, o_ref):
  dv = dinv_ref[...]
  a0 = jnp.sum(accp0_ref[...], axis=0)
  a1 = jnp.sum(accp1_ref[...], axis=0)
  o0 = jnp.maximum(dv * (a0 + h0_ref[...] * dv) + b1_ref[0], 0.0)
  o1 = jnp.maximum(dv * (a1 + h1_ref[...] * dv) + b1_ref[1], 0.0)
  logit = (jnp.sum(o0 * wfc0_ref[...]) + jnp.sum(o1 * wfc1_ref[...])
           + bfc_ref[0])
  o_ref[0, 0] = 1.0 / (1.0 + jnp.exp(-logit))


def _tc_final(accp0, accp1, h0, h1, dinv, wfc0, wfc1, b1, bfc):
  vm = pl.BlockSpec(memory_space=pltpu.VMEM)
  sm = pl.BlockSpec(memory_space=pltpu.SMEM)
  return pl.pallas_call(
      _tc_final_body,
      in_specs=[vm, vm, vm, vm, vm, vm, vm, sm, sm],
      out_specs=sm,
      out_shape=jax.ShapeDtypeStruct((1, 1), jnp.float32),
  )(accp0, accp1, h0, h1, dinv, wfc0, wfc1, b1, bfc)


def kernel(x, edge_list, edge_attr, W1, b1, Wfc, bfc):
  src = edge_list[0]
  dst = edge_list[1]
  ew = edge_attr

  hp = _tc_mm(W1.T, x)
  accp0, accp1, dinv = _sc_main(src, dst, ew, hp)

  wfcp = Wfc.reshape(N, 2).T
  out = _tc_final(
      accp0.reshape(NW, 80, 125),
      accp1.reshape(NW, 80, 125),
      hp[0].reshape(80, 125),
      hp[1].reshape(80, 125),
      dinv.reshape(80, 125),
      wfcp[0].reshape(80, 125),
      wfcp[1].reshape(80, 125),
      b1,
      bfc,
  )
  return out.reshape(())

# --- scband reference (transcript-rebuilt; emitter-appended) ---
"""Pipeline reference for scband-simple-discriminator-28836410425363 (READ-ONLY COPY).

The authoritative reference and input builder live on the scoring server;
editing this copy changes nothing except your own understanding.
"""

import jax, jax.numpy as jnp
import numpy as np

N = 10000
E = 320000
D = 128

def setup_inputs(seed: int = 0) -> dict:
    key = jax.random.key(seed)
    ks = jax.random.split(key, 8)
    x = jax.random.normal(ks[0], (N, D), dtype=jnp.float32)
    edge_list = jax.random.randint(ks[1], (2, E), 0, N)
    edge_attr = jax.random.uniform(ks[2], (E,), dtype=jnp.float32)
    # GCNConv(node_features=128, out_channels=2) params
    W1 = jax.random.normal(ks[3], (D, 2), dtype=jnp.float32) * (1.0 / np.sqrt(D))
    b1 = jnp.zeros((2,), dtype=jnp.float32)
    # fc: Linear(num_nodes*2, 1)
    Wfc = jax.random.normal(ks[4], (N * 2,), dtype=jnp.float32) * (1.0 / np.sqrt(N * 2))
    bfc = jnp.zeros((1,), dtype=jnp.float32)
    return {"x": x, "edge_list": edge_list, "edge_attr": edge_attr,
            "W1": W1, "b1": b1, "Wfc": Wfc, "bfc": bfc}

def _gcn_conv(x, edge_list, edge_weight, W, b):
    # Faithful PyG GCNConv: add self-loops (weight 1), symmetric normalization,
    # linear transform, scatter-add aggregation to dst, plus bias.
    Nn = x.shape[0]
    src = edge_list[0]
    dst = edge_list[1]
    loop = jnp.arange(Nn, dtype=src.dtype)
    src_a = jnp.concatenate([src, loop])
    dst_a = jnp.concatenate([dst, loop])
    ew = jnp.concatenate([edge_weight, jnp.ones((Nn,), dtype=x.dtype)])
    deg = jnp.zeros((Nn,), dtype=x.dtype).at[dst_a].add(ew)
    deg_inv_sqrt = jnp.where(deg > 0, jax.lax.rsqrt(jnp.maximum(deg, 1e-12)), 0.0)
    norm = deg_inv_sqrt[src_a] * ew * deg_inv_sqrt[dst_a]
    h = x @ W
    msg = h[src_a] * norm[:, None]
    out = jnp.zeros((Nn, W.shape[1]), dtype=x.dtype).at[dst_a].add(msg)
    return out + b

def reference(x, edge_list, edge_attr, W1, b1, Wfc, bfc):
    # SimpleDiscriminator.forward with training=False (no noise, no dropout)
    h = _gcn_conv(x, edge_list, edge_attr, W1, b1)
    h = jax.nn.relu(h)
    flat = h.reshape(-1)  # [N*2]
    logit = flat @ Wfc + bfc  # [1]
    return jax.nn.sigmoid(logit).squeeze()

if __name__ == "__main__":
    import jax
    _d = setup_inputs()
    print(jax.jit(kernel)(*tuple(_d.values())))

</pallas_src>

<mosaic_0001>
#map = affine_map<(d0, d1) -> (0)>
#map1 = affine_map<(d0, d1) -> (0, 0)>
module attributes {stable_mosaic.version = 14 : i64} {
  func.func @_sc_main(%arg0: i32, %arg1: i32, %arg2: memref<320000xi32, #tpu.memory_space<hbm>>, %arg3: memref<320000xi32, #tpu.memory_space<hbm>>, %arg4: memref<320000xf32, #tpu.memory_space<hbm>>, %arg5: memref<2x10000xf32, #tpu.memory_space<hbm>>, %arg6: memref<32x10000xf32, #tpu.memory_space<hbm>>, %arg7: memref<32x10000xf32, #tpu.memory_space<hbm>>, %arg8: memref<10000xf32, #tpu.memory_space<hbm>>, %arg9: memref<20000xi32, #tpu.memory_space<vmem>>, %arg10: memref<20000xf32, #tpu.memory_space<vmem>>, %arg11: memref<10000xi32, #tpu.memory_space<vmem>>, %arg12: memref<10240xf32, #tpu.memory_space<vmem>>, %arg13: memref<10240xf32, #tpu.memory_space<vmem>>, %arg14: memref<640xf32, #tpu.memory_space<vmem>>, %arg15: memref<10000xf32, #tpu.memory_space<vmem>>, %arg16: memref<10000xf32, #tpu.memory_space<vmem>>, %arg17: memref<10000xf32, #tpu.memory_space<vmem>>, %arg18: memref<10000xf32, #tpu.memory_space<vmem>>, %arg19: memref<163840xf32, #tpu.memory_space<vmem_shared>>, %arg20: memref<10240xf32, #tpu.memory_space<vmem_shared>>, %arg21: memref<!tpu.dma_semaphore, #tpu.memory_space<semaphore_mem>>, %arg22: memref<!tpu.dma_semaphore, #tpu.memory_space<semaphore_mem>>, %arg23: memref<!tpu.dma_semaphore, #tpu.memory_space<semaphore_mem>>, %arg24: memref<!tpu.dma_semaphore, #tpu.memory_space<semaphore_mem>>, %arg25: memref<!tpu.dma_semaphore, #tpu.memory_space<semaphore_mem>>) attributes {dimension_semantics = [#tpu.dimension_semantics<core_parallel>, #tpu.dimension_semantics<subcore_parallel>], iteration_bounds = array<i64: 2, 16>, scalar_prefetch = 0 : i64, scratch_operands = 17 : i64, tpu.core_type = #tpu.core_type<sc_vector_subcore>, window_params = [{transform_indices = #map}, {transform_indices = #map}, {transform_indices = #map}, {transform_indices = #map1}, {transform_indices = #map1}, {transform_indices = #map1}, {transform_indices = #map}]} {
    %mul3A = arith.constant 16 : i32
    %mul3A_0 = arith.muli %arg0, %mul3A : i32
    %add3A = arith.addi %mul3A_0, %arg1 : i32
    %mul3A_1 = arith.constant 20000 : i32
    %mul3A_2 = arith.muli %arg1, %mul3A_1 : i32
    %dma_start3A = tpu.memref_slice %arg3[%mul3A_2] : memref<320000xi32, #tpu.memory_space<hbm>> -> memref<20000xi32, #tpu.memory_space<hbm>>
    %dma_start3A_3 = tpu.memref_slice %arg3[%mul3A_2] : memref<320000xi32, #tpu.memory_space<hbm>> -> memref<20000xi32, #tpu.memory_space<hbm>>
    tpu.enqueue_dma source(%dma_start3A_3 : memref<20000xi32, #tpu.memory_space<hbm>>) target(%arg9 : memref<20000xi32, #tpu.memory_space<vmem>>) target_semaphore(%arg21 : memref<!tpu.dma_semaphore, #tpu.memory_space<semaphore_mem>>)
    %mul3A_4 = arith.constant 20000 : i32
    %mul3A_5 = arith.muli %arg1, %mul3A_4 : i32
    %dma_start3A_6 = tpu.memref_slice %arg4[%mul3A_5] : memref<320000xf32, #tpu.memory_space<hbm>> -> memref<20000xf32, #tpu.memory_space<hbm>>
    %dma_start3A_7 = tpu.memref_slice %arg4[%mul3A_5] : memref<320000xf32, #tpu.memory_space<hbm>> -> memref<20000xf32, #tpu.memory_space<hbm>>
    tpu.enqueue_dma source(%dma_start3A_7 : memref<20000xf32, #tpu.memory_space<hbm>>) target(%arg10 : memref<20000xf32, #tpu.memory_space<vmem>>) target_semaphore(%arg22 : memref<!tpu.dma_semaphore, #tpu.memory_space<semaphore_mem>>)
    %parallel_loop3A = arith.constant 0 : i32
    %parallel_loop3A_8 = arith.constant 640 : i32
    %parallel_loop3A_9 = arith.constant 1 : i32
    scf.for %parallel_loop3A_158 = %parallel_loop3A to %parallel_loop3A_8 step %parallel_loop3A_9  : i32 {
      %parallel_loop3A_159 = arith.constant 0.000000e+00 : f32
      %parallel_loop3A_160 = vector.broadcast %parallel_loop3A_159 : f32 to vector<16xf32>
      %parallel_loop3A_161 = arith.constant 16 : i32
      %parallel_loop3A_162 = arith.muli %parallel_loop3A_158, %parallel_loop3A_161 : i32
      %parallel_loop3A_163 = arith.index_cast %parallel_loop3A_162 : i32 to index
      %parallel_loop3A_164 = tpu.vector_load %arg12[%parallel_loop3A_163] {strides = array<i32>} : memref<10240xf32, #tpu.memory_space<vmem>>, vector<16xf32>,
      tpu.vector_store %arg12[%parallel_loop3A_163], %parallel_loop3A_160 {strides = array<i32>} : memref<10240xf32, #tpu.memory_space<vmem>>, vector<16xf32>,
    } {sc.loop_unroll_factor = 4 : i64, sc.parallel_access}
    %dma_wait3A = tpu.memref_slice %arg3[%mul3A_2] : memref<320000xi32, #tpu.memory_space<hbm>> -> memref<20000xi32, #tpu.memory_space<hbm>>
    %dma_wait3A_10 = tpu.memref_slice %arg3[%mul3A_2] : memref<320000xi32, #tpu.memory_space<hbm>> -> memref<20000xi32, #tpu.memory_space<hbm>>
    tpu.wait_dma2 semaphore(%arg21 : memref<!tpu.dma_semaphore, #tpu.memory_space<semaphore_mem>>) src(%dma_wait3A_10 : memref<20000xi32, #tpu.memory_space<hbm>>) dst(%arg9 : memref<20000xi32, #tpu.memory_space<vmem>>)
    %dma_wait3A_11 = tpu.memref_slice %arg4[%mul3A_5] : memref<320000xf32, #tpu.memory_space<hbm>> -> memref<20000xf32, #tpu.memory_space<hbm>>
    %dma_wait3A_12 = tpu.memref_slice %arg4[%mul3A_5] : memref<320000xf32, #tpu.memory_space<hbm>> -> memref<20000xf32, #tpu.memory_space<hbm>>
    tpu.wait_dma2 semaphore(%arg22 : memref<!tpu.dma_semaphore, #tpu.memory_space<semaphore_mem>>) src(%dma_wait3A_12 : memref<20000xf32, #tpu.memory_space<hbm>>) dst(%arg10 : memref<20000xf32, #tpu.memory_space<vmem>>)
    %parallel_loop3A_13 = arith.constant 0 : i32
    %parallel_loop3A_14 = arith.constant 1250 : i32
    %parallel_loop3A_15 = arith.constant 1 : i32
    scf.for %parallel_loop3A_158 = %parallel_loop3A_13 to %parallel_loop3A_14 step %parallel_loop3A_15  : i32 {
      %parallel_loop3A_159 = arith.constant 16 : i32
      %parallel_loop3A_160 = arith.muli %parallel_loop3A_158, %parallel_loop3A_159 : i32
      %parallel_loop3A_161 = arith.index_cast %parallel_loop3A_160 : i32 to index
      %parallel_loop3A_162 = tpu.vector_load %arg9[%parallel_loop3A_161] {strides = array<i32>} : memref<20000xi32, #tpu.memory_space<vmem>>, vector<16xi32>,
      %parallel_loop3A_163 = arith.constant 16 : i32
      %parallel_loop3A_164 = arith.muli %parallel_loop3A_158, %parallel_loop3A_163 : i32
      %parallel_loop3A_165 = arith.index_cast %parallel_loop3A_164 : i32 to index
      %parallel_loop3A_166 = tpu.vector_load %arg10[%parallel_loop3A_165] {strides = array<i32>} : memref<20000xf32, #tpu.memory_space<vmem>>, vector<16xf32>,
      tpu.vector_store_idx %arg12[%parallel_loop3A_162], %parallel_loop3A_166 {add = true} : memref<10240xf32, #tpu.memory_space<vmem>>[vector<16xi32>], vector<16xf32>,
    } {sc.loop_unroll_factor = 4 : i64, sc.parallel_access}
    %mul3A_16 = arith.constant 10000 : i32
    %mul3A_17 = arith.muli %add3A, %mul3A_16 : i32
    %dma_start3A_18 = tpu.memref_slice %arg2[%mul3A_17] : memref<320000xi32, #tpu.memory_space<hbm>> -> memref<10000xi32, #tpu.memory_space<hbm>>
    %dma_start3A_19 = tpu.memref_slice %arg2[%mul3A_17] : memref<320000xi32, #tpu.memory_space<hbm>> -> memref<10000xi32, #tpu.memory_space<hbm>>
    tpu.enqueue_dma source(%dma_start3A_19 : memref<10000xi32, #tpu.memory_space<hbm>>) target(%arg11 : memref<10000xi32, #tpu.memory_space<vmem>>) target_semaphore(%arg21 : memref<!tpu.dma_semaphore, #tpu.memory_space<semaphore_mem>>)
    %mul3A_20 = arith.constant 10000 : i32
    %mul3A_21 = arith.muli %add3A, %mul3A_20 : i32
    %dma_start3A_22 = arith.constant 0 : i32
    %dma_start3A_23 = tpu.memref_slice %arg9[%dma_start3A_22] : memref<20000xi32, #tpu.memory_space<vmem>> -> memref<10000xi32, #tpu.memory_space<vmem>>
    %dma_start3A_24 = tpu.memref_slice %arg3[%mul3A_21] : memref<320000xi32, #tpu.memory_space<hbm>> -> memref<10000xi32, #tpu.memory_space<hbm>>
    %dma_start3A_25 = arith.constant 0 : i32
    %dma_start3A_26 = tpu.memref_slice %arg9[%dma_start3A_25] : memref<20000xi32, #tpu.memory_space<vmem>> -> memref<10000xi32, #tpu.memory_space<vmem>>
    %dma_start3A_27 = tpu.memref_slice %arg3[%mul3A_21] : memref<320000xi32, #tpu.memory_space<hbm>> -> memref<10000xi32, #tpu.memory_space<hbm>>
    tpu.enqueue_dma source(%dma_start3A_27 : memref<10000xi32, #tpu.memory_space<hbm>>) target(%dma_start3A_26 : memref<10000xi32, #tpu.memory_space<vmem>>) target_semaphore(%arg22 : memref<!tpu.dma_semaphore, #tpu.memory_space<semaphore_mem>>)
    %mul3A_28 = arith.constant 10000 : i32
    %mul3A_29 = arith.muli %add3A, %mul3A_28 : i32
    %dma_start3A_30 = arith.constant 0 : i32
    %dma_start3A_31 = tpu.memref_slice %arg10[%dma_start3A_30] : memref<20000xf32, #tpu.memory_space<vmem>> -> memref<10000xf32, #tpu.memory_space<vmem>>
    %dma_start3A_32 = tpu.memref_slice %arg4[%mul3A_29] : memref<320000xf32, #tpu.memory_space<hbm>> -> memref<10000xf32, #tpu.memory_space<hbm>>
    %dma_start3A_33 = arith.constant 0 : i32
    %dma_start3A_34 = tpu.memref_slice %arg10[%dma_start3A_33] : memref<20000xf32, #tpu.memory_space<vmem>> -> memref<10000xf32, #tpu.memory_space<vmem>>
    %dma_start3A_35 = tpu.memref_slice %arg4[%mul3A_29] : memref<320000xf32, #tpu.memory_space<hbm>> -> memref<10000xf32, #tpu.memory_space<hbm>>
    tpu.enqueue_dma source(%dma_start3A_35 : memref<10000xf32, #tpu.memory_space<hbm>>) target(%dma_start3A_34 : memref<10000xf32, #tpu.memory_space<vmem>>) target_semaphore(%arg23 : memref<!tpu.dma_semaphore, #tpu.memory_space<semaphore_mem>>)
    %dma_start3A_36 = arith.constant 0 : i32
    %dma_start3A_37 = arith.constant 0 : i32
    %dma_start3A_38 = tpu.memref_slice %arg5[%dma_start3A_36, %dma_start3A_37] : memref<2x10000xf32, #tpu.memory_space<hbm>> -> memref<1x10000xf32, #tpu.memory_space<hbm>>
    %dma_start3A_39 = tpu.memref_squeeze %dma_start3A_38 : memref<1x10000xf32, #tpu.memory_space<hbm>> -> memref<10000xf32, #tpu.memory_space<hbm>>
    %dma_start3A_40 = arith.constant 0 : i32
    %dma_start3A_41 = tpu.memref_slice %arg5[%dma_start3A_36, %dma_start3A_40] : memref<2x10000xf32, #tpu.memory_space<hbm>> -> memref<1x10000xf32, #tpu.memory_space<hbm>>
    %dma_start3A_42 = tpu.memref_squeeze %dma_start3A_41 : memref<1x10000xf32, #tpu.memory_space<hbm>> -> memref<10000xf32, #tpu.memory_space<hbm>>
    tpu.enqueue_dma source(%dma_start3A_42 : memref<10000xf32, #tpu.memory_space<hbm>>) target(%arg15 : memref<10000xf32, #tpu.memory_space<vmem>>) target_semaphore(%arg24 : memref<!tpu.dma_semaphore, #tpu.memory_space<semaphore_mem>>)
    %dma_start3A_43 = arith.constant 1 : i32
    %dma_start3A_44 = arith.constant 0 : i32
    %dma_start3A_45 = tpu.memref_slice %arg5[%dma_start3A_43, %dma_start3A_44] : memref<2x10000xf32, #tpu.memory_space<hbm>> -> memref<1x10000xf32, #tpu.memory_space<hbm>>
    %dma_start3A_46 = tpu.memref_squeeze %dma_start3A_45 : memref<1x10000xf32, #tpu.memory_space<hbm>> -> memref<10000xf32, #tpu.memory_space<hbm>>
    %dma_start3A_47 = arith.constant 0 : i32
    %dma_start3A_48 = tpu.memref_slice %arg5[%dma_start3A_43, %dma_start3A_47] : memref<2x10000xf32, #tpu.memory_space<hbm>> -> memref<1x10000xf32, #tpu.memory_space<hbm>>
    %dma_start3A_49 = tpu.memref_squeeze %dma_start3A_48 : memref<1x10000xf32, #tpu.memory_space<hbm>> -> memref<10000xf32, #tpu.memory_space<hbm>>
    tpu.enqueue_dma source(%dma_start3A_49 : memref<10000xf32, #tpu.memory_space<hbm>>) target(%arg16 : memref<10000xf32, #tpu.memory_space<vmem>>) target_semaphore(%arg25 : memref<!tpu.dma_semaphore, #tpu.memory_space<semaphore_mem>>)
    %mul3A_50 = arith.constant 10240 : i32
    %mul3A_51 = arith.muli %arg1, %mul3A_50 : i32
    "tpu.region"() ({
      %run_scoped3A = tpu.sem_alloc : memref<!tpu.dma_semaphore, #tpu.memory_space<semaphore_mem>>
      %dma_start3A_158 = tpu.memref_slice %arg19[%mul3A_51] : memref<163840xf32, #tpu.memory_space<vmem_shared>> -> memref<10240xf32, #tpu.memory_space<vmem_shared>>
      %dma_start3A_159 = tpu.memref_slice %arg19[%mul3A_51] : memref<163840xf32, #tpu.memory_space<vmem_shared>> -> memref<10240xf32, #tpu.memory_space<vmem_shared>>
      tpu.enqueue_dma source(%arg12 : memref<10240xf32, #tpu.memory_space<vmem>>) target(%dma_start3A_159 : memref<10240xf32, #tpu.memory_space<vmem_shared>>) target_semaphore(%run_scoped3A : memref<!tpu.dma_semaphore, #tpu.memory_space<semaphore_mem>>)
      %dma_wait3A_160 = tpu.memref_slice %arg19[%mul3A_51] : memref<163840xf32, #tpu.memory_space<vmem_shared>> -> memref<10240xf32, #tpu.memory_space<vmem_shared>>
      %dma_wait3A_161 = tpu.memref_slice %arg19[%mul3A_51] : memref<163840xf32, #tpu.memory_space<vmem_shared>> -> memref<10240xf32, #tpu.memory_space<vmem_shared>>
      tpu.wait_dma2 semaphore(%run_scoped3A : memref<!tpu.dma_semaphore, #tpu.memory_space<semaphore_mem>>) src(%arg12 : memref<10240xf32, #tpu.memory_space<vmem>>) dst(%dma_wait3A_161 : memref<10240xf32, #tpu.memory_space<vmem_shared>>)
      tpu.yield
    }) : () -> ()
    %barrier3A = arith.constant 0 : index
    tpu.barrier barrier_id(%barrier3A)
    %mul3A_52 = arith.constant 640 : i32
    %mul3A_53 = arith.muli %arg1, %mul3A_52 : i32
    %add3A_54 = arith.constant 0 : i32
    %add3A_55 = arith.addi %add3A_54, %mul3A_53 : i32
    "tpu.region"() ({
      %run_scoped3A = tpu.sem_alloc : memref<!tpu.dma_semaphore, #tpu.memory_space<semaphore_mem>>
      %dma_start3A_158 = arith.constant 0 : i32
      %dma_start3A_159 = tpu.memref_slice %arg13[%dma_start3A_158] : memref<10240xf32, #tpu.memory_space<vmem>> -> memref<640xf32, #tpu.memory_space<vmem>>
      %dma_start3A_160 = tpu.memref_slice %arg19[%add3A_55] : memref<163840xf32, #tpu.memory_space<vmem_shared>> -> memref<640xf32, #tpu.memory_space<vmem_shared>>
      %dma_start3A_161 = arith.constant 0 : i32
      %dma_start3A_162 = tpu.memref_slice %arg13[%dma_start3A_161] : memref<10240xf32, #tpu.memory_space<vmem>> -> memref<640xf32, #tpu.memory_space<vmem>>
      %dma_start3A_163 = tpu.memref_slice %arg19[%add3A_55] : memref<163840xf32, #tpu.memory_space<vmem_shared>> -> memref<640xf32, #tpu.memory_space<vmem_shared>>
      tpu.enqueue_dma source(%dma_start3A_163 : memref<640xf32, #tpu.memory_space<vmem_shared>>) target(%dma_start3A_162 : memref<640xf32, #tpu.memory_space<vmem>>) target_semaphore(%run_scoped3A : memref<!tpu.dma_semaphore, #tpu.memory_space<semaphore_mem>>)
      %dma_wait3A_164 = arith.constant 0 : i32
      %dma_wait3A_165 = tpu.memref_slice %arg13[%dma_wait3A_164] : memref<10240xf32, #tpu.memory_space<vmem>> -> memref<640xf32, #tpu.memory_space<vmem>>
      %dma_wait3A_166 = tpu.memref_slice %arg19[%add3A_55] : memref<163840xf32, #tpu.memory_space<vmem_shared>> -> memref<640xf32, #tpu.memory_space<vmem_shared>>
      %dma_wait3A_167 = arith.constant 0 : i32
      %dma_wait3A_168 = tpu.memref_slice %arg13[%dma_wait3A_167] : memref<10240xf32, #tpu.memory_space<vmem>> -> memref<640xf32, #tpu.memory_space<vmem>>
      %dma_wait3A_169 = tpu.memref_slice %arg19[%add3A_55] : memref<163840xf32, #tpu.memory_space<vmem_shared>> -> memref<640xf32, #tpu.memory_space<vmem_shared>>
      tpu.wait_dma2 semaphore(%run_scoped3A : memref<!tpu.dma_semaphore, #tpu.memory_space<semaphore_mem>>) src(%dma_wait3A_169 : memref<640xf32, #tpu.memory_space<vmem_shared>>) dst(%dma_wait3A_168 : memref<640xf32, #tpu.memory_space<vmem>>)
      tpu.yield
    }) : () -> ()
    %mul3A_56 = arith.constant 640 : i32
    %mul3A_57 = arith.muli %arg1, %mul3A_56 : i32
    %add3A_58 = arith.constant 10240 : i32
    %add3A_59 = arith.addi %add3A_58, %mul3A_57 : i32
    "tpu.region"() ({
      %run_scoped3A = tpu.sem_alloc : memref<!tpu.dma_semaphore, #tpu.memory_space<semaphore_mem>>
      %dma_start3A_158 = arith.constant 640 : i32
      %dma_start3A_159 = tpu.memref_slice %arg13[%dma_start3A_158] : memref<10240xf32, #tpu.memory_space<vmem>> -> memref<640xf32, #tpu.memory_space<vmem>>
      %dma_start3A_160 = tpu.memref_slice %arg19[%add3A_59] : memref<163840xf32, #tpu.memory_space<vmem_shared>> -> memref<640xf32, #tpu.memory_space<vmem_shared>>
      %dma_start3A_161 = arith.constant 640 : i32
      %dma_start3A_162 = tpu.memref_slice %arg13[%dma_start3A_161] : memref<10240xf32, #tpu.memory_space<vmem>> -> memref<640xf32, #tpu.memory_space<vmem>>
      %dma_start3A_163 = tpu.memref_slice %arg19[%add3A_59] : memref<163840xf32, #tpu.memory_space<vmem_shared>> -> memref<640xf32, #tpu.memory_space<vmem_shared>>
      tpu.enqueue_dma source(%dma_start3A_163 : memref<640xf32, #tpu.memory_space<vmem_shared>>) target(%dma_start3A_162 : memref<640xf32, #tpu.memory_space<vmem>>) target_semaphore(%run_scoped3A : memref<!tpu.dma_semaphore, #tpu.memory_space<semaphore_mem>>)
      %dma_wait3A_164 = arith.constant 640 : i32
      %dma_wait3A_165 = tpu.memref_slice %arg13[%dma_wait3A_164] : memref<10240xf32, #tpu.memory_space<vmem>> -> memref<640xf32, #tpu.memory_space<vmem>>
      %dma_wait3A_166 = tpu.memref_slice %arg19[%add3A_59] : memref<163840xf32, #tpu.memory_space<vmem_shared>> -> memref<640xf32, #tpu.memory_space<vmem_shared>>
      %dma_wait3A_167 = arith.constant 640 : i32
      %dma_wait3A_168 = tpu.memref_slice %arg13[%dma_wait3A_167] : memref<10240xf32, #tpu.memory_space<vmem>> -> memref<640xf32, #tpu.memory_space<vmem>>
      %dma_wait3A_169 = tpu.memref_slice %arg19[%add3A_59] : memref<163840xf32, #tpu.memory_space<vmem_shared>> -> memref<640xf32, #tpu.memory_space<vmem_shared>>
      tpu.wait_dma2 semaphore(%run_scoped3A : memref<!tpu.dma_semaphore, #tpu.memory_space<semaphore_mem>>) src(%dma_wait3A_169 : memref<640xf32, #tpu.memory_space<vmem_shared>>) dst(%dma_wait3A_168 : memref<640xf32, #tpu.memory_space<vmem>>)
      tpu.yield
    }) : () -> ()
    %mul3A_60 = arith.constant 640 : i32
    %mul3A_61 = arith.muli %arg1, %mul3A_60 : i32
    %add3A_62 = arith.constant 20480 : i32
    %add3A_63 = arith.addi %add3A_62, %mul3A_61 : i32
    "tpu.region"() ({
      %run_scoped3A = tpu.sem_alloc : memref<!tpu.dma_semaphore, #tpu.memory_space<semaphore_mem>>
      %dma_start3A_158 = arith.constant 1280 : i32
      %dma_start3A_159 = tpu.memref_slice %arg13[%dma_start3A_158] : memref<10240xf32, #tpu.memory_space<vmem>> -> memref<640xf32, #tpu.memory_space<vmem>>
      %dma_start3A_160 = tpu.memref_slice %arg19[%add3A_63] : memref<163840xf32, #tpu.memory_space<vmem_shared>> -> memref<640xf32, #tpu.memory_space<vmem_shared>>
      %dma_start3A_161 = arith.constant 1280 : i32
      %dma_start3A_162 = tpu.memref_slice %arg13[%dma_start3A_161] : memref<10240xf32, #tpu.memory_space<vmem>> -> memref<640xf32, #tpu.memory_space<vmem>>
      %dma_start3A_163 = tpu.memref_slice %arg19[%add3A_63] : memref<163840xf32, #tpu.memory_space<vmem_shared>> -> memref<640xf32, #tpu.memory_space<vmem_shared>>
      tpu.enqueue_dma source(%dma_start3A_163 : memref<640xf32, #tpu.memory_space<vmem_shared>>) target(%dma_start3A_162 : memref<640xf32, #tpu.memory_space<vmem>>) target_semaphore(%run_scoped3A : memref<!tpu.dma_semaphore, #tpu.memory_space<semaphore_mem>>)
      %dma_wait3A_164 = arith.constant 1280 : i32
      %dma_wait3A_165 = tpu.memref_slice %arg13[%dma_wait3A_164] : memref<10240xf32, #tpu.memory_space<vmem>> -> memref<640xf32, #tpu.memory_space<vmem>>
      %dma_wait3A_166 = tpu.memref_slice %arg19[%add3A_63] : memref<163840xf32, #tpu.memory_space<vmem_shared>> -> memref<640xf32, #tpu.memory_space<vmem_shared>>
      %dma_wait3A_167 = arith.constant 1280 : i32
      %dma_wait3A_168 = tpu.memref_slice %arg13[%dma_wait3A_167] : memref<10240xf32, #tpu.memory_space<vmem>> -> memref<640xf32, #tpu.memory_space<vmem>>
      %dma_wait3A_169 = tpu.memref_slice %arg19[%add3A_63] : memref<163840xf32, #tpu.memory_space<vmem_shared>> -> memref<640xf32, #tpu.memory_space<vmem_shared>>
      tpu.wait_dma2 semaphore(%run_scoped3A : memref<!tpu.dma_semaphore, #tpu.memory_space<semaphore_mem>>) src(%dma_wait3A_169 : memref<640xf32, #tpu.memory_space<vmem_shared>>) dst(%dma_wait3A_168 : memref<640xf32, #tpu.memory_space<vmem>>)
      tpu.yield
    }) : () -> ()
    %mul3A_64 = arith.constant 640 : i32
    %mul3A_65 = arith.muli %arg1, %mul3A_64 : i32
    %add3A_66 = arith.constant 30720 : i32
    %add3A_67 = arith.addi %add3A_66, %mul3A_65 : i32
    "tpu.region"() ({
      %run_scoped3A = tpu.sem_alloc : memref<!tpu.dma_semaphore, #tpu.memory_space<semaphore_mem>>
      %dma_start3A_158 = arith.constant 1920 : i32
      %dma_start3A_159 = tpu.memref_slice %arg13[%dma_start3A_158] : memref<10240xf32, #tpu.memory_space<vmem>> -> memref<640xf32, #tpu.memory_space<vmem>>
      %dma_start3A_160 = tpu.memref_slice %arg19[%add3A_67] : memref<163840xf32, #tpu.memory_space<vmem_shared>> -> memref<640xf32, #tpu.memory_space<vmem_shared>>
      %dma_start3A_161 = arith.constant 1920 : i32
      %dma_start3A_162 = tpu.memref_slice %arg13[%dma_start3A_161] : memref<10240xf32, #tpu.memory_space<vmem>> -> memref<640xf32, #tpu.memory_space<vmem>>
      %dma_start3A_163 = tpu.memref_slice %arg19[%add3A_67] : memref<163840xf32, #tpu.memory_space<vmem_shared>> -> memref<640xf32, #tpu.memory_space<vmem_shared>>
      tpu.enqueue_dma source(%dma_start3A_163 : memref<640xf32, #tpu.memory_space<vmem_shared>>) target(%dma_start3A_162 : memref<640xf32, #tpu.memory_space<vmem>>) target_semaphore(%run_scoped3A : memref<!tpu.dma_semaphore, #tpu.memory_space<semaphore_mem>>)
      %dma_wait3A_164 = arith.constant 1920 : i32
      %dma_wait3A_165 = tpu.memref_slice %arg13[%dma_wait3A_164] : memref<10240xf32, #tpu.memory_space<vmem>> -> memref<640xf32, #tpu.memory_space<vmem>>
      %dma_wait3A_166 = tpu.memref_slice %arg19[%add3A_67] : memref<163840xf32, #tpu.memory_space<vmem_shared>> -> memref<640xf32, #tpu.memory_space<vmem_shared>>
      %dma_wait3A_167 = arith.constant 1920 : i32
      %dma_wait3A_168 = tpu.memref_slice %arg13[%dma_wait3A_167] : memref<10240xf32, #tpu.memory_space<vmem>> -> memref<640xf32, #tpu.memory_space<vmem>>
      %dma_wait3A_169 = tpu.memref_slice %arg19[%add3A_67] : memref<163840xf32, #tpu.memory_space<vmem_shared>> -> memref<640xf32, #tpu.memory_space<vmem_shared>>
      tpu.wait_dma2 semaphore(%run_scoped3A : memref<!tpu.dma_semaphore, #tpu.memory_space<semaphore_mem>>) src(%dma_wait3A_169 : memref<640xf32, #tpu.memory_space<vmem_shared>>) dst(%dma_wait3A_168 : memref<640xf32, #tpu.memory_space<vmem>>)
      tpu.yield
    }) : () -> ()
    %mul3A_68 = arith.constant 640 : i32
    %mul3A_69 = arith.muli %arg1, %mul3A_68 : i32
    %add3A_70 = arith.constant 40960 : i32
    %add3A_71 = arith.addi %add3A_70, %mul3A_69 : i32
    "tpu.region"() ({
      %run_scoped3A = tpu.sem_alloc : memref<!tpu.dma_semaphore, #tpu.memory_space<semaphore_mem>>
      %dma_start3A_158 = arith.constant 2560 : i32
      %dma_start3A_159 = tpu.memref_slice %arg13[%dma_start3A_158] : memref<10240xf32, #tpu.memory_space<vmem>> -> memref<640xf32, #tpu.memory_space<vmem>>
      %dma_start3A_160 = tpu.memref_slice %arg19[%add3A_71] : memref<163840xf32, #tpu.memory_space<vmem_shared>> -> memref<640xf32, #tpu.memory_space<vmem_shared>>
      %dma_start3A_161 = arith.constant 2560 : i32
      %dma_start3A_162 = tpu.memref_slice %arg13[%dma_start3A_161] : memref<10240xf32, #tpu.memory_space<vmem>> -> memref<640xf32, #tpu.memory_space<vmem>>
      %dma_start3A_163 = tpu.memref_slice %arg19[%add3A_71] : memref<163840xf32, #tpu.memory_space<vmem_shared>> -> memref<640xf32, #tpu.memory_space<vmem_shared>>
      tpu.enqueue_dma source(%dma_start3A_163 : memref<640xf32, #tpu.memory_space<vmem_shared>>) target(%dma_start3A_162 : memref<640xf32, #tpu.memory_space<vmem>>) target_semaphore(%run_scoped3A : memref<!tpu.dma_semaphore, #tpu.memory_space<semaphore_mem>>)
      %dma_wait3A_164 = arith.constant 2560 : i32
      %dma_wait3A_165 = tpu.memref_slice %arg13[%dma_wait3A_164] : memref<10240xf32, #tpu.memory_space<vmem>> -> memref<640xf32, #tpu.memory_space<vmem>>
      %dma_wait3A_166 = tpu.memref_slice %arg19[%add3A_71] : memref<163840xf32, #tpu.memory_space<vmem_shared>> -> memref<640xf32, #tpu.memory_space<vmem_shared>>
      %dma_wait3A_167 = arith.constant 2560 : i32
      %dma_wait3A_168 = tpu.memref_slice %arg13[%dma_wait3A_167] : memref<10240xf32, #tpu.memory_space<vmem>> -> memref<640xf32, #tpu.memory_space<vmem>>
      %dma_wait3A_169 = tpu.memref_slice %arg19[%add3A_71] : memref<163840xf32, #tpu.memory_space<vmem_shared>> -> memref<640xf32, #tpu.memory_space<vmem_shared>>
      tpu.wait_dma2 semaphore(%run_scoped3A : memref<!tpu.dma_semaphore, #tpu.memory_space<semaphore_mem>>) src(%dma_wait3A_169 : memref<640xf32, #tpu.memory_space<vmem_shared>>) dst(%dma_wait3A_168 : memref<640xf32, #tpu.memory_space<vmem>>)
      tpu.yield
    }) : () -> ()
    %mul3A_72 = arith.constant 640 : i32
    %mul3A_73 = arith.muli %arg1, %mul3A_72 : i32
    %add3A_74 = arith.constant 51200 : i32
    %add3A_75 = arith.addi %add3A_74, %mul3A_73 : i32
    "tpu.region"() ({
      %run_scoped3A = tpu.sem_alloc : memref<!tpu.dma_semaphore, #tpu.memory_space<semaphore_mem>>
      %dma_start3A_158 = arith.constant 3200 : i32
      %dma_start3A_159 = tpu.memref_slice %arg13[%dma_start3A_158] : memref<10240xf32, #tpu.memory_space<vmem>> -> memref<640xf32, #tpu.memory_space<vmem>>
      %dma_start3A_160 = tpu.memref_slice %arg19[%add3A_75] : memref<163840xf32, #tpu.memory_space<vmem_shared>> -> memref<640xf32, #tpu.memory_space<vmem_shared>>
      %dma_start3A_161 = arith.constant 3200 : i32
      %dma_start3A_162 = tpu.memref_slice %arg13[%dma_start3A_161] : memref<10240xf32, #tpu.memory_space<vmem>> -> memref<640xf32, #tpu.memory_space<vmem>>
      %dma_start3A_163 = tpu.memref_slice %arg19[%add3A_75] : memref<163840xf32, #tpu.memory_space<vmem_shared>> -> memref<640xf32, #tpu.memory_space<vmem_shared>>
      tpu.enqueue_dma source(%dma_start3A_163 : memref<640xf32, #tpu.memory_space<vmem_shared>>) target(%dma_start3A_162 : memref<640xf32, #tpu.memory_space<vmem>>) target_semaphore(%run_scoped3A : memref<!tpu.dma_semaphore, #tpu.memory_space<semaphore_mem>>)
      %dma_wait3A_164 = arith.constant 3200 : i32
      %dma_wait3A_165 = tpu.memref_slice %arg13[%dma_wait3A_164] : memref<10240xf32, #tpu.memory_space<vmem>> -> memref<640xf32, #tpu.memory_space<vmem>>
      %dma_wait3A_166 = tpu.memref_slice %arg19[%add3A_75] : memref<163840xf32, #tpu.memory_space<vmem_shared>> -> memref<640xf32, #tpu.memory_space<vmem_shared>>
      %dma_wait3A_167 = arith.constant 3200 : i32
      %dma_wait3A_168 = tpu.memref_slice %arg13[%dma_wait3A_167] : memref<10240xf32, #tpu.memory_space<vmem>> -> memref<640xf32, #tpu.memory_space<vmem>>
      %dma_wait3A_169 = tpu.memref_slice %arg19[%add3A_75] : memref<163840xf32, #tpu.memory_space<vmem_shared>> -> memref<640xf32, #tpu.memory_space<vmem_shared>>
      tpu.wait_dma2 semaphore(%run_scoped3A : memref<!tpu.dma_semaphore, #tpu.memory_space<semaphore_mem>>) src(%dma_wait3A_169 : memref<640xf32, #tpu.memory_space<vmem_shared>>) dst(%dma_wait3A_168 : memref<640xf32, #tpu.memory_space<vmem>>)
      tpu.yield
    }) : () -> ()
    %mul3A_76 = arith.constant 640 : i32
    %mul3A_77 = arith.muli %arg1, %mul3A_76 : i32
    %add3A_78 = arith.constant 61440 : i32
    %add3A_79 = arith.addi %add3A_78, %mul3A_77 : i32
    "tpu.region"() ({
      %run_scoped3A = tpu.sem_alloc : memref<!tpu.dma_semaphore, #tpu.memory_space<semaphore_mem>>
      %dma_start3A_158 = arith.constant 3840 : i32
      %dma_start3A_159 = tpu.memref_slice %arg13[%dma_start3A_158] : memref<10240xf32, #tpu.memory_space<vmem>> -> memref<640xf32, #tpu.memory_space<vmem>>
      %dma_start3A_160 = tpu.memref_slice %arg19[%add3A_79] : memref<163840xf32, #tpu.memory_space<vmem_shared>> -> memref<640xf32, #tpu.memory_space<vmem_shared>>
      %dma_start3A_161 = arith.constant 3840 : i32
      %dma_start3A_162 = tpu.memref_slice %arg13[%dma_start3A_161] : memref<10240xf32, #tpu.memory_space<vmem>> -> memref<640xf32, #tpu.memory_space<vmem>>
      %dma_start3A_163 = tpu.memref_slice %arg19[%add3A_79] : memref<163840xf32, #tpu.memory_space<vmem_shared>> -> memref<640xf32, #tpu.memory_space<vmem_shared>>
      tpu.enqueue_dma source(%dma_start3A_163 : memref<640xf32, #tpu.memory_space<vmem_shared>>) target(%dma_start3A_162 : memref<640xf32, #tpu.memory_space<vmem>>) target_semaphore(%run_scoped3A : memref<!tpu.dma_semaphore, #tpu.memory_space<semaphore_mem>>)
      %dma_wait3A_164 = arith.constant 3840 : i32
      %dma_wait3A_165 = tpu.memref_slice %arg13[%dma_wait3A_164] : memref<10240xf32, #tpu.memory_space<vmem>> -> memref<640xf32, #tpu.memory_space<vmem>>
      %dma_wait3A_166 = tpu.memref_slice %arg19[%add3A_79] : memref<163840xf32, #tpu.memory_space<vmem_shared>> -> memref<640xf32, #tpu.memory_space<vmem_shared>>
      %dma_wait3A_167 = arith.constant 3840 : i32
      %dma_wait3A_168 = tpu.memref_slice %arg13[%dma_wait3A_167] : memref<10240xf32, #tpu.memory_space<vmem>> -> memref<640xf32, #tpu.memory_space<vmem>>
      %dma_wait3A_169 = tpu.memref_slice %arg19[%add3A_79] : memref<163840xf32, #tpu.memory_space<vmem_shared>> -> memref<640xf32, #tpu.memory_space<vmem_shared>>
      tpu.wait_dma2 semaphore(%run_scoped3A : memref<!tpu.dma_semaphore, #tpu.memory_space<semaphore_mem>>) src(%dma_wait3A_169 : memref<640xf32, #tpu.memory_space<vmem_shared>>) dst(%dma_wait3A_168 : memref<640xf32, #tpu.memory_space<vmem>>)
      tpu.yield
    }) : () -> ()
    %mul3A_80 = arith.constant 640 : i32
    %mul3A_81 = arith.muli %arg1, %mul3A_80 : i32
    %add3A_82 = arith.constant 71680 : i32
    %add3A_83 = arith.addi %add3A_82, %mul3A_81 : i32
    "tpu.region"() ({
      %run_scoped3A = tpu.sem_alloc : memref<!tpu.dma_semaphore, #tpu.memory_space<semaphore_mem>>
      %dma_start3A_158 = arith.constant 4480 : i32
      %dma_start3A_159 = tpu.memref_slice %arg13[%dma_start3A_158] : memref<10240xf32, #tpu.memory_space<vmem>> -> memref<640xf32, #tpu.memory_space<vmem>>
      %dma_start3A_160 = tpu.memref_slice %arg19[%add3A_83] : memref<163840xf32, #tpu.memory_space<vmem_shared>> -> memref<640xf32, #tpu.memory_space<vmem_shared>>
      %dma_start3A_161 = arith.constant 4480 : i32
      %dma_start3A_162 = tpu.memref_slice %arg13[%dma_start3A_161] : memref<10240xf32, #tpu.memory_space<vmem>> -> memref<640xf32, #tpu.memory_space<vmem>>
      %dma_start3A_163 = tpu.memref_slice %arg19[%add3A_83] : memref<163840xf32, #tpu.memory_space<vmem_shared>> -> memref<640xf32, #tpu.memory_space<vmem_shared>>
      tpu.enqueue_dma source(%dma_start3A_163 : memref<640xf32, #tpu.memory_space<vmem_shared>>) target(%dma_start3A_162 : memref<640xf32, #tpu.memory_space<vmem>>) target_semaphore(%run_scoped3A : memref<!tpu.dma_semaphore, #tpu.memory_space<semaphore_mem>>)
      %dma_wait3A_164 = arith.constant 4480 : i32
      %dma_wait3A_165 = tpu.memref_slice %arg13[%dma_wait3A_164] : memref<10240xf32, #tpu.memory_space<vmem>> -> memref<640xf32, #tpu.memory_space<vmem>>
      %dma_wait3A_166 = tpu.memref_slice %arg19[%add3A_83] : memref<163840xf32, #tpu.memory_space<vmem_shared>> -> memref<640xf32, #tpu.memory_space<vmem_shared>>
      %dma_wait3A_167 = arith.constant 4480 : i32
      %dma_wait3A_168 = tpu.memref_slice %arg13[%dma_wait3A_167] : memref<10240xf32, #tpu.memory_space<vmem>> -> memref<640xf32, #tpu.memory_space<vmem>>
      %dma_wait3A_169 = tpu.memref_slice %arg19[%add3A_83] : memref<163840xf32, #tpu.memory_space<vmem_shared>> -> memref<640xf32, #tpu.memory_space<vmem_shared>>
      tpu.wait_dma2 semaphore(%run_scoped3A : memref<!tpu.dma_semaphore, #tpu.memory_space<semaphore_mem>>) src(%dma_wait3A_169 : memref<640xf32, #tpu.memory_space<vmem_shared>>) dst(%dma_wait3A_168 : memref<640xf32, #tpu.memory_space<vmem>>)
      tpu.yield
    }) : () -> ()
    %mul3A_84 = arith.constant 640 : i32
    %mul3A_85 = arith.muli %arg1, %mul3A_84 : i32
    %add3A_86 = arith.constant 81920 : i32
    %add3A_87 = arith.addi %add3A_86, %mul3A_85 : i32
    "tpu.region"() ({
      %run_scoped3A = tpu.sem_alloc : memref<!tpu.dma_semaphore, #tpu.memory_space<semaphore_mem>>
      %dma_start3A_158 = arith.constant 5120 : i32
      %dma_start3A_159 = tpu.memref_slice %arg13[%dma_start3A_158] : memref<10240xf32, #tpu.memory_space<vmem>> -> memref<640xf32, #tpu.memory_space<vmem>>
      %dma_start3A_160 = tpu.memref_slice %arg19[%add3A_87] : memref<163840xf32, #tpu.memory_space<vmem_shared>> -> memref<640xf32, #tpu.memory_space<vmem_shared>>
      %dma_start3A_161 = arith.constant 5120 : i32
      %dma_start3A_162 = tpu.memref_slice %arg13[%dma_start3A_161] : memref<10240xf32, #tpu.memory_space<vmem>> -> memref<640xf32, #tpu.memory_space<vmem>>
      %dma_start3A_163 = tpu.memref_slice %arg19[%add3A_87] : memref<163840xf32, #tpu.memory_space<vmem_shared>> -> memref<640xf32, #tpu.memory_space<vmem_shared>>
      tpu.enqueue_dma source(%dma_start3A_163 : memref<640xf32, #tpu.memory_space<vmem_shared>>) target(%dma_start3A_162 : memref<640xf32, #tpu.memory_space<vmem>>) target_semaphore(%run_scoped3A : memref<!tpu.dma_semaphore, #tpu.memory_space<semaphore_mem>>)
      %dma_wait3A_164 = arith.constant 5120 : i32
      %dma_wait3A_165 = tpu.memref_slice %arg13[%dma_wait3A_164] : memref<10240xf32, #tpu.memory_space<vmem>> -> memref<640xf32, #tpu.memory_space<vmem>>
      %dma_wait3A_166 = tpu.memref_slice %arg19[%add3A_87] : memref<163840xf32, #tpu.memory_space<vmem_shared>> -> memref<640xf32, #tpu.memory_space<vmem_shared>>
      %dma_wait3A_167 = arith.constant 5120 : i32
      %dma_wait3A_168 = tpu.memref_slice %arg13[%dma_wait3A_167] : memref<10240xf32, #tpu.memory_space<vmem>> -> memref<640xf32, #tpu.memory_space<vmem>>
      %dma_wait3A_169 = tpu.memref_slice %arg19[%add3A_87] : memref<163840xf32, #tpu.memory_space<vmem_shared>> -> memref<640xf32, #tpu.memory_space<vmem_shared>>
      tpu.wait_dma2 semaphore(%run_scoped3A : memref<!tpu.dma_semaphore, #tpu.memory_space<semaphore_mem>>) src(%dma_wait3A_169 : memref<640xf32, #tpu.memory_space<vmem_shared>>) dst(%dma_wait3A_168 : memref<640xf32, #tpu.memory_space<vmem>>)
      tpu.yield
    }) : () -> ()
    %mul3A_88 = arith.constant 640 : i32
    %mul3A_89 = arith.muli %arg1, %mul3A_88 : i32
    %add3A_90 = arith.constant 92160 : i32
    %add3A_91 = arith.addi %add3A_90, %mul3A_89 : i32
    "tpu.region"() ({
      %run_scoped3A = tpu.sem_alloc : memref<!tpu.dma_semaphore, #tpu.memory_space<semaphore_mem>>
      %dma_start3A_158 = arith.constant 5760 : i32
      %dma_start3A_159 = tpu.memref_slice %arg13[%dma_start3A_158] : memref<10240xf32, #tpu.memory_space<vmem>> -> memref<640xf32, #tpu.memory_space<vmem>>
      %dma_start3A_160 = tpu.memref_slice %arg19[%add3A_91] : memref<163840xf32, #tpu.memory_space<vmem_shared>> -> memref<640xf32, #tpu.memory_space<vmem_shared>>
      %dma_start3A_161 = arith.constant 5760 : i32
      %dma_start3A_162 = tpu.memref_slice %arg13[%dma_start3A_161] : memref<10240xf32, #tpu.memory_space<vmem>> -> memref<640xf32, #tpu.memory_space<vmem>>
      %dma_start3A_163 = tpu.memref_slice %arg19[%add3A_91] : memref<163840xf32, #tpu.memory_space<vmem_shared>> -> memref<640xf32, #tpu.memory_space<vmem_shared>>
      tpu.enqueue_dma source(%dma_start3A_163 : memref<640xf32, #tpu.memory_space<vmem_shared>>) target(%dma_start3A_162 : memref<640xf32, #tpu.memory_space<vmem>>) target_semaphore(%run_scoped3A : memref<!tpu.dma_semaphore, #tpu.memory_space<semaphore_mem>>)
      %dma_wait3A_164 = arith.constant 5760 : i32
      %dma_wait3A_165 = tpu.memref_slice %arg13[%dma_wait3A_164] : memref<10240xf32, #tpu.memory_space<vmem>> -> memref<640xf32, #tpu.memory_space<vmem>>
      %dma_wait3A_166 = tpu.memref_slice %arg19[%add3A_91] : memref<163840xf32, #tpu.memory_space<vmem_shared>> -> memref<640xf32, #tpu.memory_space<vmem_shared>>
      %dma_wait3A_167 = arith.constant 5760 : i32
      %dma_wait3A_168 = tpu.memref_slice %arg13[%dma_wait3A_167] : memref<10240xf32, #tpu.memory_space<vmem>> -> memref<640xf32, #tpu.memory_space<vmem>>
      %dma_wait3A_169 = tpu.memref_slice %arg19[%add3A_91] : memref<163840xf32, #tpu.memory_space<vmem_shared>> -> memref<640xf32, #tpu.memory_space<vmem_shared>>
      tpu.wait_dma2 semaphore(%run_scoped3A : memref<!tpu.dma_semaphore, #tpu.memory_space<semaphore_mem>>) src(%dma_wait3A_169 : memref<640xf32, #tpu.memory_space<vmem_shared>>) dst(%dma_wait3A_168 : memref<640xf32, #tpu.memory_space<vmem>>)
      tpu.yield
    }) : () -> ()
    %mul3A_92 = arith.constant 640 : i32
    %mul3A_93 = arith.muli %arg1, %mul3A_92 : i32
    %add3A_94 = arith.constant 102400 : i32
    %add3A_95 = arith.addi %add3A_94, %mul3A_93 : i32
    "tpu.region"() ({
      %run_scoped3A = tpu.sem_alloc : memref<!tpu.dma_semaphore, #tpu.memory_space<semaphore_mem>>
      %dma_start3A_158 = arith.constant 6400 : i32
      %dma_start3A_159 = tpu.memref_slice %arg13[%dma_start3A_158] : memref<10240xf32, #tpu.memory_space<vmem>> -> memref<640xf32, #tpu.memory_space<vmem>>
      %dma_start3A_160 = tpu.memref_slice %arg19[%add3A_95] : memref<163840xf32, #tpu.memory_space<vmem_shared>> -> memref<640xf32, #tpu.memory_space<vmem_shared>>
      %dma_start3A_161 = arith.constant 6400 : i32
      %dma_start3A_162 = tpu.memref_slice %arg13[%dma_start3A_161] : memref<10240xf32, #tpu.memory_space<vmem>> -> memref<640xf32, #tpu.memory_space<vmem>>
      %dma_start3A_163 = tpu.memref_slice %arg19[%add3A_95] : memref<163840xf32, #tpu.memory_space<vmem_shared>> -> memref<640xf32, #tpu.memory_space<vmem_shared>>
      tpu.enqueue_dma source(%dma_start3A_163 : memref<640xf32, #tpu.memory_space<vmem_shared>>) target(%dma_start3A_162 : memref<640xf32, #tpu.memory_space<vmem>>) target_semaphore(%run_scoped3A : memref<!tpu.dma_semaphore, #tpu.memory_space<semaphore_mem>>)
      %dma_wait3A_164 = arith.constant 6400 : i32
      %dma_wait3A_165 = tpu.memref_slice %arg13[%dma_wait3A_164] : memref<10240xf32, #tpu.memory_space<vmem>> -> memref<640xf32, #tpu.memory_space<vmem>>
      %dma_wait3A_166 = tpu.memref_slice %arg19[%add3A_95] : memref<163840xf32, #tpu.memory_space<vmem_shared>> -> memref<640xf32, #tpu.memory_space<vmem_shared>>
      %dma_wait3A_167 = arith.constant 6400 : i32
      %dma_wait3A_168 = tpu.memref_slice %arg13[%dma_wait3A_167] : memref<10240xf32, #tpu.memory_space<vmem>> -> memref<640xf32, #tpu.memory_space<vmem>>
      %dma_wait3A_169 = tpu.memref_slice %arg19[%add3A_95] : memref<163840xf32, #tpu.memory_space<vmem_shared>> -> memref<640xf32, #tpu.memory_space<vmem_shared>>
      tpu.wait_dma2 semaphore(%run_scoped3A : memref<!tpu.dma_semaphore, #tpu.memory_space<semaphore_mem>>) src(%dma_wait3A_169 : memref<640xf32, #tpu.memory_space<vmem_shared>>) dst(%dma_wait3A_168 : memref<640xf32, #tpu.memory_space<vmem>>)
      tpu.yield
    }) : () -> ()
    %mul3A_96 = arith.constant 640 : i32
    %mul3A_97 = arith.muli %arg1, %mul3A_96 : i32
    %add3A_98 = arith.constant 112640 : i32
    %add3A_99 = arith.addi %add3A_98, %mul3A_97 : i32
    "tpu.region"() ({
      %run_scoped3A = tpu.sem_alloc : memref<!tpu.dma_semaphore, #tpu.memory_space<semaphore_mem>>
      %dma_start3A_158 = arith.constant 7040 : i32
      %dma_start3A_159 = tpu.memref_slice %arg13[%dma_start3A_158] : memref<10240xf32, #tpu.memory_space<vmem>> -> memref<640xf32, #tpu.memory_space<vmem>>
      %dma_start3A_160 = tpu.memref_slice %arg19[%add3A_99] : memref<163840xf32, #tpu.memory_space<vmem_shared>> -> memref<640xf32, #tpu.memory_space<vmem_shared>>
      %dma_start3A_161 = arith.constant 7040 : i32
      %dma_start3A_162 = tpu.memref_slice %arg13[%dma_start3A_161] : memref<10240xf32, #tpu.memory_space<vmem>> -> memref<640xf32, #tpu.memory_space<vmem>>
      %dma_start3A_163 = tpu.memref_slice %arg19[%add3A_99] : memref<163840xf32, #tpu.memory_space<vmem_shared>> -> memref<640xf32, #tpu.memory_space<vmem_shared>>
      tpu.enqueue_dma source(%dma_start3A_163 : memref<640xf32, #tpu.memory_space<vmem_shared>>) target(%dma_start3A_162 : memref<640xf32, #tpu.memory_space<vmem>>) target_semaphore(%run_scoped3A : memref<!tpu.dma_semaphore, #tpu.memory_space<semaphore_mem>>)
      %dma_wait3A_164 = arith.constant 7040 : i32
      %dma_wait3A_165 = tpu.memref_slice %arg13[%dma_wait3A_164] : memref<10240xf32, #tpu.memory_space<vmem>> -> memref<640xf32, #tpu.memory_space<vmem>>
      %dma_wait3A_166 = tpu.memref_slice %arg19[%add3A_99] : memref<163840xf32, #tpu.memory_space<vmem_shared>> -> memref<640xf32, #tpu.memory_space<vmem_shared>>
      %dma_wait3A_167 = arith.constant 7040 : i32
      %dma_wait3A_168 = tpu.memref_slice %arg13[%dma_wait3A_167] : memref<10240xf32, #tpu.memory_space<vmem>> -> memref<640xf32, #tpu.memory_space<vmem>>
      %dma_wait3A_169 = tpu.memref_slice %arg19[%add3A_99] : memref<163840xf32, #tpu.memory_space<vmem_shared>> -> memref<640xf32, #tpu.memory_space<vmem_shared>>
      tpu.wait_dma2 semaphore(%run_scoped3A : memref<!tpu.dma_semaphore, #tpu.memory_space<semaphore_mem>>) src(%dma_wait3A_169 : memref<640xf32, #tpu.memory_space<vmem_shared>>) dst(%dma_wait3A_168 : memref<640xf32, #tpu.memory_space<vmem>>)
      tpu.yield
    }) : () -> ()
    %mul3A_100 = arith.constant 640 : i32
    %mul3A_101 = arith.muli %arg1, %mul3A_100 : i32
    %add3A_102 = arith.constant 122880 : i32
    %add3A_103 = arith.addi %add3A_102, %mul3A_101 : i32
    "tpu.region"() ({
      %run_scoped3A = tpu.sem_alloc : memref<!tpu.dma_semaphore, #tpu.memory_space<semaphore_mem>>
      %dma_start3A_158 = arith.constant 7680 : i32
      %dma_start3A_159 = tpu.memref_slice %arg13[%dma_start3A_158] : memref<10240xf32, #tpu.memory_space<vmem>> -> memref<640xf32, #tpu.memory_space<vmem>>
      %dma_start3A_160 = tpu.memref_slice %arg19[%add3A_103] : memref<163840xf32, #tpu.memory_space<vmem_shared>> -> memref<640xf32, #tpu.memory_space<vmem_shared>>
      %dma_start3A_161 = arith.constant 7680 : i32
      %dma_start3A_162 = tpu.memref_slice %arg13[%dma_start3A_161] : memref<10240xf32, #tpu.memory_space<vmem>> -> memref<640xf32, #tpu.memory_space<vmem>>
      %dma_start3A_163 = tpu.memref_slice %arg19[%add3A_103] : memref<163840xf32, #tpu.memory_space<vmem_shared>> -> memref<640xf32, #tpu.memory_space<vmem_shared>>
      tpu.enqueue_dma source(%dma_start3A_163 : memref<640xf32, #tpu.memory_space<vmem_shared>>) target(%dma_start3A_162 : memref<640xf32, #tpu.memory_space<vmem>>) target_semaphore(%run_scoped3A : memref<!tpu.dma_semaphore, #tpu.memory_space<semaphore_mem>>)
      %dma_wait3A_164 = arith.constant 7680 : i32
      %dma_wait3A_165 = tpu.memref_slice %arg13[%dma_wait3A_164] : memref<10240xf32, #tpu.memory_space<vmem>> -> memref<640xf32, #tpu.memory_space<vmem>>
      %dma_wait3A_166 = tpu.memref_slice %arg19[%add3A_103] : memref<163840xf32, #tpu.memory_space<vmem_shared>> -> memref<640xf32, #tpu.memory_space<vmem_shared>>
      %dma_wait3A_167 = arith.constant 7680 : i32
      %dma_wait3A_168 = tpu.memref_slice %arg13[%dma_wait3A_167] : memref<10240xf32, #tpu.memory_space<vmem>> -> memref<640xf32, #tpu.memory_space<vmem>>
      %dma_wait3A_169 = tpu.memref_slice %arg19[%add3A_103] : memref<163840xf32, #tpu.memory_space<vmem_shared>> -> memref<640xf32, #tpu.memory_space<vmem_shared>>
      tpu.wait_dma2 semaphore(%run_scoped3A : memref<!tpu.dma_semaphore, #tpu.memory_space<semaphore_mem>>) src(%dma_wait3A_169 : memref<640xf32, #tpu.memory_space<vmem_shared>>) dst(%dma_wait3A_168 : memref<640xf32, #tpu.memory_space<vmem>>)
      tpu.yield
    }) : () -> ()
    %mul3A_104 = arith.constant 640 : i32
    %mul3A_105 = arith.muli %arg1, %mul3A_104 : i32
    %add3A_106 = arith.constant 133120 : i32
    %add3A_107 = arith.addi %add3A_106, %mul3A_105 : i32
    "tpu.region"() ({
      %run_scoped3A = tpu.sem_alloc : memref<!tpu.dma_semaphore, #tpu.memory_space<semaphore_mem>>
      %dma_start3A_158 = arith.constant 8320 : i32
      %dma_start3A_159 = tpu.memref_slice %arg13[%dma_start3A_158] : memref<10240xf32, #tpu.memory_space<vmem>> -> memref<640xf32, #tpu.memory_space<vmem>>
      %dma_start3A_160 = tpu.memref_slice %arg19[%add3A_107] : memref<163840xf32, #tpu.memory_space<vmem_shared>> -> memref<640xf32, #tpu.memory_space<vmem_shared>>
      %dma_start3A_161 = arith.constant 8320 : i32
      %dma_start3A_162 = tpu.memref_slice %arg13[%dma_start3A_161] : memref<10240xf32, #tpu.memory_space<vmem>> -> memref<640xf32, #tpu.memory_space<vmem>>
      %dma_start3A_163 = tpu.memref_slice %arg19[%add3A_107] : memref<163840xf32, #tpu.memory_space<vmem_shared>> -> memref<640xf32, #tpu.memory_space<vmem_shared>>
      tpu.enqueue_dma source(%dma_start3A_163 : memref<640xf32, #tpu.memory_space<vmem_shared>>) target(%dma_start3A_162 : memref<640xf32, #tpu.memory_space<vmem>>) target_semaphore(%run_scoped3A : memref<!tpu.dma_semaphore, #tpu.memory_space<semaphore_mem>>)
      %dma_wait3A_164 = arith.constant 8320 : i32
      %dma_wait3A_165 = tpu.memref_slice %arg13[%dma_wait3A_164] : memref<10240xf32, #tpu.memory_space<vmem>> -> memref<640xf32, #tpu.memory_space<vmem>>
      %dma_wait3A_166 = tpu.memref_slice %arg19[%add3A_107] : memref<163840xf32, #tpu.memory_space<vmem_shared>> -> memref<640xf32, #tpu.memory_space<vmem_shared>>
      %dma_wait3A_167 = arith.constant 8320 : i32
      %dma_wait3A_168 = tpu.memref_slice %arg13[%dma_wait3A_167] : memref<10240xf32, #tpu.memory_space<vmem>> -> memref<640xf32, #tpu.memory_space<vmem>>
      %dma_wait3A_169 = tpu.memref_slice %arg19[%add3A_107] : memref<163840xf32, #tpu.memory_space<vmem_shared>> -> memref<640xf32, #tpu.memory_space<vmem_shared>>
      tpu.wait_dma2 semaphore(%run_scoped3A : memref<!tpu.dma_semaphore, #tpu.memory_space<semaphore_mem>>) src(%dma_wait3A_169 : memref<640xf32, #tpu.memory_space<vmem_shared>>) dst(%dma_wait3A_168 : memref<640xf32, #tpu.memory_space<vmem>>)
      tpu.yield
    }) : () -> ()
    %mul3A_108 = arith.constant 640 : i32
    %mul3A_109 = arith.muli %arg1, %mul3A_108 : i32
    %add3A_110 = arith.constant 143360 : i32
    %add3A_111 = arith.addi %add3A_110, %mul3A_109 : i32
    "tpu.region"() ({
      %run_scoped3A = tpu.sem_alloc : memref<!tpu.dma_semaphore, #tpu.memory_space<semaphore_mem>>
      %dma_start3A_158 = arith.constant 8960 : i32
      %dma_start3A_159 = tpu.memref_slice %arg13[%dma_start3A_158] : memref<10240xf32, #tpu.memory_space<vmem>> -> memref<640xf32, #tpu.memory_space<vmem>>
      %dma_start3A_160 = tpu.memref_slice %arg19[%add3A_111] : memref<163840xf32, #tpu.memory_space<vmem_shared>> -> memref<640xf32, #tpu.memory_space<vmem_shared>>
      %dma_start3A_161 = arith.constant 8960 : i32
      %dma_start3A_162 = tpu.memref_slice %arg13[%dma_start3A_161] : memref<10240xf32, #tpu.memory_space<vmem>> -> memref<640xf32, #tpu.memory_space<vmem>>
      %dma_start3A_163 = tpu.memref_slice %arg19[%add3A_111] : memref<163840xf32, #tpu.memory_space<vmem_shared>> -> memref<640xf32, #tpu.memory_space<vmem_shared>>
      tpu.enqueue_dma source(%dma_start3A_163 : memref<640xf32, #tpu.memory_space<vmem_shared>>) target(%dma_start3A_162 : memref<640xf32, #tpu.memory_space<vmem>>) target_semaphore(%run_scoped3A : memref<!tpu.dma_semaphore, #tpu.memory_space<semaphore_mem>>)
      %dma_wait3A_164 = arith.constant 8960 : i32
      %dma_wait3A_165 = tpu.memref_slice %arg13[%dma_wait3A_164] : memref<10240xf32, #tpu.memory_space<vmem>> -> memref<640xf32, #tpu.memory_space<vmem>>
      %dma_wait3A_166 = tpu.memref_slice %arg19[%add3A_111] : memref<163840xf32, #tpu.memory_space<vmem_shared>> -> memref<640xf32, #tpu.memory_space<vmem_shared>>
      %dma_wait3A_167 = arith.constant 8960 : i32
      %dma_wait3A_168 = tpu.memref_slice %arg13[%dma_wait3A_167] : memref<10240xf32, #tpu.memory_space<vmem>> -> memref<640xf32, #tpu.memory_space<vmem>>
      %dma_wait3A_169 = tpu.memref_slice %arg19[%add3A_111] : memref<163840xf32, #tpu.memory_space<vmem_shared>> -> memref<640xf32, #tpu.memory_space<vmem_shared>>
      tpu.wait_dma2 semaphore(%run_scoped3A : memref<!tpu.dma_semaphore, #tpu.memory_space<semaphore_mem>>) src(%dma_wait3A_169 : memref<640xf32, #tpu.memory_space<vmem_shared>>) dst(%dma_wait3A_168 : memref<640xf32, #tpu.memory_space<vmem>>)
      tpu.yield
    }) : () -> ()
    %mul3A_112 = arith.constant 640 : i32
    %mul3A_113 = arith.muli %arg1, %mul3A_112 : i32
    %add3A_114 = arith.constant 153600 : i32
    %add3A_115 = arith.addi %add3A_114, %mul3A_113 : i32
    "tpu.region"() ({
      %run_scoped3A = tpu.sem_alloc : memref<!tpu.dma_semaphore, #tpu.memory_space<semaphore_mem>>
      %dma_start3A_158 = arith.constant 9600 : i32
      %dma_start3A_159 = tpu.memref_slice %arg13[%dma_start3A_158] : memref<10240xf32, #tpu.memory_space<vmem>> -> memref<640xf32, #tpu.memory_space<vmem>>
      %dma_start3A_160 = tpu.memref_slice %arg19[%add3A_115] : memref<163840xf32, #tpu.memory_space<vmem_shared>> -> memref<640xf32, #tpu.memory_space<vmem_shared>>
      %dma_start3A_161 = arith.constant 9600 : i32
      %dma_start3A_162 = tpu.memref_slice %arg13[%dma_start3A_161] : memref<10240xf32, #tpu.memory_space<vmem>> -> memref<640xf32, #tpu.memory_space<vmem>>
      %dma_start3A_163 = tpu.memref_slice %arg19[%add3A_115] : memref<163840xf32, #tpu.memory_space<vmem_shared>> -> memref<640xf32, #tpu.memory_space<vmem_shared>>
      tpu.enqueue_dma source(%dma_start3A_163 : memref<640xf32, #tpu.memory_space<vmem_shared>>) target(%dma_start3A_162 : memref<640xf32, #tpu.memory_space<vmem>>) target_semaphore(%run_scoped3A : memref<!tpu.dma_semaphore, #tpu.memory_space<semaphore_mem>>)
      %dma_wait3A_164 = arith.constant 9600 : i32
      %dma_wait3A_165 = tpu.memref_slice %arg13[%dma_wait3A_164] : memref<10240xf32, #tpu.memory_space<vmem>> -> memref<640xf32, #tpu.memory_space<vmem>>
      %dma_wait3A_166 = tpu.memref_slice %arg19[%add3A_115] : memref<163840xf32, #tpu.memory_space<vmem_shared>> -> memref<640xf32, #tpu.memory_space<vmem_shared>>
      %dma_wait3A_167 = arith.constant 9600 : i32
      %dma_wait3A_168 = tpu.memref_slice %arg13[%dma_wait3A_167] : memref<10240xf32, #tpu.memory_space<vmem>> -> memref<640xf32, #tpu.memory_space<vmem>>
      %dma_wait3A_169 = tpu.memref_slice %arg19[%add3A_115] : memref<163840xf32, #tpu.memory_space<vmem_shared>> -> memref<640xf32, #tpu.memory_space<vmem_shared>>
      tpu.wait_dma2 semaphore(%run_scoped3A : memref<!tpu.dma_semaphore, #tpu.memory_space<semaphore_mem>>) src(%dma_wait3A_169 : memref<640xf32, #tpu.memory_space<vmem_shared>>) dst(%dma_wait3A_168 : memref<640xf32, #tpu.memory_space<vmem>>)
      tpu.yield
    }) : () -> ()
    %parallel_loop3A_116 = arith.constant 0 : i32
    %parallel_loop3A_117 = arith.constant 40 : i32
    %parallel_loop3A_118 = arith.constant 1 : i32
    scf.for %parallel_loop3A_158 = %parallel_loop3A_116 to %parallel_loop3A_117 step %parallel_loop3A_118  : i32 {
      %parallel_loop3A_159 = arith.constant 16 : i32
      %parallel_loop3A_160 = arith.muli %parallel_loop3A_158, %parallel_loop3A_159 : i32
      %parallel_loop3A_161 = arith.index_cast %parallel_loop3A_160 : i32 to index
      %parallel_loop3A_162 = tpu.vector_load %arg13[%parallel_loop3A_161] {strides = array<i32>} : memref<10240xf32, #tpu.memory_space<vmem>>, vector<16xf32>,
      %parallel_loop3A_163 = arith.constant 16 : i32
      %parallel_loop3A_164 = arith.muli %parallel_loop3A_158, %parallel_loop3A_163 : i32
      %parallel_loop3A_165 = arith.constant 640 : i32
      %parallel_loop3A_166 = arith.addi %parallel_loop3A_165, %parallel_loop3A_164 : i32
      %parallel_loop3A_167 = arith.index_cast %parallel_loop3A_166 : i32 to index
      %parallel_loop3A_168 = tpu.vector_load %arg13[%parallel_loop3A_167] {strides = array<i32>} : memref<10240xf32, #tpu.memory_space<vmem>>, vector<16xf32>,
      %parallel_loop3A_169 = arith.addf %parallel_loop3A_162, %parallel_loop3A_168 : vector<16xf32>
      %parallel_loop3A_170 = arith.constant 16 : i32
      %parallel_loop3A_171 = arith.muli %parallel_loop3A_158, %parallel_loop3A_170 : i32
      %parallel_loop3A_172 = arith.constant 1280 : i32
      %parallel_loop3A_173 = arith.addi %parallel_loop3A_172, %parallel_loop3A_171 : i32
      %parallel_loop3A_174 = arith.index_cast %parallel_loop3A_173 : i32 to index
      %parallel_loop3A_175 = tpu.vector_load %arg13[%parallel_loop3A_174] {strides = array<i32>} : memref<10240xf32, #tpu.memory_space<vmem>>, vector<16xf32>,
      %parallel_loop3A_176 = arith.addf %parallel_loop3A_169, %parallel_loop3A_175 : vector<16xf32>
      %parallel_loop3A_177 = arith.constant 16 : i32
      %parallel_loop3A_178 = arith.muli %parallel_loop3A_158, %parallel_loop3A_177 : i32
      %parallel_loop3A_179 = arith.constant 1920 : i32
      %parallel_loop3A_180 = arith.addi %parallel_loop3A_179, %parallel_loop3A_178 : i32
      %parallel_loop3A_181 = arith.index_cast %parallel_loop3A_180 : i32 to index
      %parallel_loop3A_182 = tpu.vector_load %arg13[%parallel_loop3A_181] {strides = array<i32>} : memref<10240xf32, #tpu.memory_space<vmem>>, vector<16xf32>,
      %parallel_loop3A_183 = arith.addf %parallel_loop3A_176, %parallel_loop3A_182 : vector<16xf32>
      %parallel_loop3A_184 = arith.constant 16 : i32
      %parallel_loop3A_185 = arith.muli %parallel_loop3A_158, %parallel_loop3A_184 : i32
      %parallel_loop3A_186 = arith.constant 2560 : i32
      %parallel_loop3A_187 = arith.addi %parallel_loop3A_186, %parallel_loop3A_185 : i32
      %parallel_loop3A_188 = arith.index_cast %parallel_loop3A_187 : i32 to index
      %parallel_loop3A_189 = tpu.vector_load %arg13[%parallel_loop3A_188] {strides = array<i32>} : memref<10240xf32, #tpu.memory_space<vmem>>, vector<16xf32>,
      %parallel_loop3A_190 = arith.addf %parallel_loop3A_183, %parallel_loop3A_189 : vector<16xf32>
      %parallel_loop3A_191 = arith.constant 16 : i32
      %parallel_loop3A_192 = arith.muli %parallel_loop3A_158, %parallel_loop3A_191 : i32
      %parallel_loop3A_193 = arith.constant 3200 : i32
      %parallel_loop3A_194 = arith.addi %parallel_loop3A_193, %parallel_loop3A_192 : i32
      %parallel_loop3A_195 = arith.index_cast %parallel_loop3A_194 : i32 to index
      %parallel_loop3A_196 = tpu.vector_load %arg13[%parallel_loop3A_195] {strides = array<i32>} : memref<10240xf32, #tpu.memory_space<vmem>>, vector<16xf32>,
      %parallel_loop3A_197 = arith.addf %parallel_loop3A_190, %parallel_loop3A_196 : vector<16xf32>
      %parallel_loop3A_198 = arith.constant 16 : i32
      %parallel_loop3A_199 = arith.muli %parallel_loop3A_158, %parallel_loop3A_198 : i32
      %parallel_loop3A_200 = arith.constant 3840 : i32
      %parallel_loop3A_201 = arith.addi %parallel_loop3A_200, %parallel_loop3A_199 : i32
      %parallel_loop3A_202 = arith.index_cast %parallel_loop3A_201 : i32 to index
      %parallel_loop3A_203 = tpu.vector_load %arg13[%parallel_loop3A_202] {strides = array<i32>} : memref<10240xf32, #tpu.memory_space<vmem>>, vector<16xf32>,
      %parallel_loop3A_204 = arith.addf %parallel_loop3A_197, %parallel_loop3A_203 : vector<16xf32>
      %parallel_loop3A_205 = arith.constant 16 : i32
      %parallel_loop3A_206 = arith.muli %parallel_loop3A_158, %parallel_loop3A_205 : i32
      %parallel_loop3A_207 = arith.constant 4480 : i32
      %parallel_loop3A_208 = arith.addi %parallel_loop3A_207, %parallel_loop3A_206 : i32
      %parallel_loop3A_209 = arith.index_cast %parallel_loop3A_208 : i32 to index
      %parallel_loop3A_210 = tpu.vector_load %arg13[%parallel_loop3A_209] {strides = array<i32>} : memref<10240xf32, #tpu.memory_space<vmem>>, vector<16xf32>,
      %parallel_loop3A_211 = arith.addf %parallel_loop3A_204, %parallel_loop3A_210 : vector<16xf32>
      %parallel_loop3A_212 = arith.constant 16 : i32
      %parallel_loop3A_213 = arith.muli %parallel_loop3A_158, %parallel_loop3A_212 : i32
      %parallel_loop3A_214 = arith.constant 5120 : i32
      %parallel_loop3A_215 = arith.addi %parallel_loop3A_214, %parallel_loop3A_213 : i32
      %parallel_loop3A_216 = arith.index_cast %parallel_loop3A_215 : i32 to index
      %parallel_loop3A_217 = tpu.vector_load %arg13[%parallel_loop3A_216] {strides = array<i32>} : memref<10240xf32, #tpu.memory_space<vmem>>, vector<16xf32>,
      %parallel_loop3A_218 = arith.addf %parallel_loop3A_211, %parallel_loop3A_217 : vector<16xf32>
      %parallel_loop3A_219 = arith.constant 16 : i32
      %parallel_loop3A_220 = arith.muli %parallel_loop3A_158, %parallel_loop3A_219 : i32
      %parallel_loop3A_221 = arith.constant 5760 : i32
      %parallel_loop3A_222 = arith.addi %parallel_loop3A_221, %parallel_loop3A_220 : i32
      %parallel_loop3A_223 = arith.index_cast %parallel_loop3A_222 : i32 to index
      %parallel_loop3A_224 = tpu.vector_load %arg13[%parallel_loop3A_223] {strides = array<i32>} : memref<10240xf32, #tpu.memory_space<vmem>>, vector<16xf32>,
      %parallel_loop3A_225 = arith.addf %parallel_loop3A_218, %parallel_loop3A_224 : vector<16xf32>
      %parallel_loop3A_226 = arith.constant 16 : i32
      %parallel_loop3A_227 = arith.muli %parallel_loop3A_158, %parallel_loop3A_226 : i32
      %parallel_loop3A_228 = arith.constant 6400 : i32
      %parallel_loop3A_229 = arith.addi %parallel_loop3A_228, %parallel_loop3A_227 : i32
      %parallel_loop3A_230 = arith.index_cast %parallel_loop3A_229 : i32 to index
      %parallel_loop3A_231 = tpu.vector_load %arg13[%parallel_loop3A_230] {strides = array<i32>} : memref<10240xf32, #tpu.memory_space<vmem>>, vector<16xf32>,
      %parallel_loop3A_232 = arith.addf %parallel_loop3A_225, %parallel_loop3A_231 : vector<16xf32>
      %parallel_loop3A_233 = arith.constant 16 : i32
      %parallel_loop3A_234 = arith.muli %parallel_loop3A_158, %parallel_loop3A_233 : i32
      %parallel_loop3A_235 = arith.constant 7040 : i32
      %parallel_loop3A_236 = arith.addi %parallel_loop3A_235, %parallel_loop3A_234 : i32
      %parallel_loop3A_237 = arith.index_cast %parallel_loop3A_236 : i32 to index
      %parallel_loop3A_238 = tpu.vector_load %arg13[%parallel_loop3A_237] {strides = array<i32>} : memref<10240xf32, #tpu.memory_space<vmem>>, vector<16xf32>,
      %parallel_loop3A_239 = arith.addf %parallel_loop3A_232, %parallel_loop3A_238 : vector<16xf32>
      %parallel_loop3A_240 = arith.constant 16 : i32
      %parallel_loop3A_241 = arith.muli %parallel_loop3A_158, %parallel_loop3A_240 : i32
      %parallel_loop3A_242 = arith.constant 7680 : i32
      %parallel_loop3A_243 = arith.addi %parallel_loop3A_242, %parallel_loop3A_241 : i32
      %parallel_loop3A_244 = arith.index_cast %parallel_loop3A_243 : i32 to index
      %parallel_loop3A_245 = tpu.vector_load %arg13[%parallel_loop3A_244] {strides = array<i32>} : memref<10240xf32, #tpu.memory_space<vmem>>, vector<16xf32>,
      %parallel_loop3A_246 = arith.addf %parallel_loop3A_239, %parallel_loop3A_245 : vector<16xf32>
      %parallel_loop3A_247 = arith.constant 16 : i32
      %parallel_loop3A_248 = arith.muli %parallel_loop3A_158, %parallel_loop3A_247 : i32
      %parallel_loop3A_249 = arith.constant 8320 : i32
      %parallel_loop3A_250 = arith.addi %parallel_loop3A_249, %parallel_loop3A_248 : i32
      %parallel_loop3A_251 = arith.index_cast %parallel_loop3A_250 : i32 to index
      %parallel_loop3A_252 = tpu.vector_load %arg13[%parallel_loop3A_251] {strides = array<i32>} : memref<10240xf32, #tpu.memory_space<vmem>>, vector<16xf32>,
      %parallel_loop3A_253 = arith.addf %parallel_loop3A_246, %parallel_loop3A_252 : vector<16xf32>
      %parallel_loop3A_254 = arith.constant 16 : i32
      %parallel_loop3A_255 = arith.muli %parallel_loop3A_158, %parallel_loop3A_254 : i32
      %parallel_loop3A_256 = arith.constant 8960 : i32
      %parallel_loop3A_257 = arith.addi %parallel_loop3A_256, %parallel_loop3A_255 : i32
      %parallel_loop3A_258 = arith.index_cast %parallel_loop3A_257 : i32 to index
      %parallel_loop3A_259 = tpu.vector_load %arg13[%parallel_loop3A_258] {strides = array<i32>} : memref<10240xf32, #tpu.memory_space<vmem>>, vector<16xf32>,
      %parallel_loop3A_260 = arith.addf %parallel_loop3A_253, %parallel_loop3A_259 : vector<16xf32>
      %parallel_loop3A_261 = arith.constant 16 : i32
      %parallel_loop3A_262 = arith.muli %parallel_loop3A_158, %parallel_loop3A_261 : i32
      %parallel_loop3A_263 = arith.constant 9600 : i32
      %parallel_loop3A_264 = arith.addi %parallel_loop3A_263, %parallel_loop3A_262 : i32
      %parallel_loop3A_265 = arith.index_cast %parallel_loop3A_264 : i32 to index
      %parallel_loop3A_266 = tpu.vector_load %arg13[%parallel_loop3A_265] {strides = array<i32>} : memref<10240xf32, #tpu.memory_space<vmem>>, vector<16xf32>,
      %parallel_loop3A_267 = arith.addf %parallel_loop3A_260, %parallel_loop3A_266 : vector<16xf32>
      %parallel_loop3A_268 = arith.constant 1.000000e+00 : f32
      %parallel_loop3A_269 = vector.broadcast %parallel_loop3A_268 : f32 to vector<16xf32>
      %parallel_loop3A_270 = arith.addf %parallel_loop3A_267, %parallel_loop3A_269 : vector<16xf32>
      %parallel_loop3A_271 = vector.bitcast %parallel_loop3A_270 : vector<16xf32> to vector<16xi32>
      %parallel_loop3A_272 = arith.constant 1 : i32
      %parallel_loop3A_273 = vector.broadcast %parallel_loop3A_272 : i32 to vector<16xi32>
      %parallel_loop3A_274 = arith.shrsi %parallel_loop3A_271, %parallel_loop3A_273 : vector<16xi32>
      %parallel_loop3A_275 = arith.constant 1597463007 : i32
      %parallel_loop3A_276 = vector.broadcast %parallel_loop3A_275 : i32 to vector<16xi32>
      %parallel_loop3A_277 = arith.subi %parallel_loop3A_276, %parallel_loop3A_274 : vector<16xi32>
      %parallel_loop3A_278 = vector.bitcast %parallel_loop3A_277 : vector<16xi32> to vector<16xf32>
      %parallel_loop3A_279 = arith.constant 5.000000e-01 : f32
      %parallel_loop3A_280 = vector.broadcast %parallel_loop3A_279 : f32 to vector<16xf32>
      %parallel_loop3A_281 = arith.mulf %parallel_loop3A_280, %parallel_loop3A_270 : vector<16xf32>
      %parallel_loop3A_282 = arith.mulf %parallel_loop3A_281, %parallel_loop3A_278 : vector<16xf32>
      %parallel_loop3A_283 = arith.mulf %parallel_loop3A_282, %parallel_loop3A_278 : vector<16xf32>
      %parallel_loop3A_284 = arith.constant 1.500000e+00 : f32
      %parallel_loop3A_285 = vector.broadcast %parallel_loop3A_284 : f32 to vector<16xf32>
      %parallel_loop3A_286 = arith.subf %parallel_loop3A_285, %parallel_loop3A_283 : vector<16xf32>
      %parallel_loop3A_287 = arith.mulf %parallel_loop3A_278, %parallel_loop3A_286 : vector<16xf32>
      %parallel_loop3A_288 = arith.constant 5.000000e-01 : f32
      %parallel_loop3A_289 = vector.broadcast %parallel_loop3A_288 : f32 to vector<16xf32>
      %parallel_loop3A_290 = arith.mulf %parallel_loop3A_289, %parallel_loop3A_270 : vector<16xf32>
      %parallel_loop3A_291 = arith.mulf %parallel_loop3A_290, %parallel_loop3A_287 : vector<16xf32>
      %parallel_loop3A_292 = arith.mulf %parallel_loop3A_291, %parallel_loop3A_287 : vector<16xf32>
      %parallel_loop3A_293 = arith.constant 1.500000e+00 : f32
      %parallel_loop3A_294 = vector.broadcast %parallel_loop3A_293 : f32 to vector<16xf32>
      %parallel_loop3A_295 = arith.subf %parallel_loop3A_294, %parallel_loop3A_292 : vector<16xf32>
      %parallel_loop3A_296 = arith.mulf %parallel_loop3A_287, %parallel_loop3A_295 : vector<16xf32>
      %parallel_loop3A_297 = arith.constant 5.000000e-01 : f32
      %parallel_loop3A_298 = vector.broadcast %parallel_loop3A_297 : f32 to vector<16xf32>
      %parallel_loop3A_299 = arith.mulf %parallel_loop3A_298, %parallel_loop3A_270 : vector<16xf32>
      %parallel_loop3A_300 = arith.mulf %parallel_loop3A_299, %parallel_loop3A_296 : vector<16xf32>
      %parallel_loop3A_301 = arith.mulf %parallel_loop3A_300, %parallel_loop3A_296 : vector<16xf32>
      %parallel_loop3A_302 = arith.constant 1.500000e+00 : f32
      %parallel_loop3A_303 = vector.broadcast %parallel_loop3A_302 : f32 to vector<16xf32>
      %parallel_loop3A_304 = arith.subf %parallel_loop3A_303, %parallel_loop3A_301 : vector<16xf32>
      %parallel_loop3A_305 = arith.mulf %parallel_loop3A_296, %parallel_loop3A_304 : vector<16xf32>
      %parallel_loop3A_306 = arith.constant 16 : i32
      %parallel_loop3A_307 = arith.muli %parallel_loop3A_158, %parallel_loop3A_306 : i32
      %parallel_loop3A_308 = arith.index_cast %parallel_loop3A_307 : i32 to index
      %parallel_loop3A_309 = tpu.vector_load %arg14[%parallel_loop3A_308] {strides = array<i32>} : memref<640xf32, #tpu.memory_space<vmem>>, vector<16xf32>,
      tpu.vector_store %arg14[%parallel_loop3A_308], %parallel_loop3A_305 {strides = array<i32>} : memref<640xf32, #tpu.memory_space<vmem>>, vector<16xf32>,
    } {sc.loop_unroll_factor = 2 : i64, sc.parallel_access}
    %mul3A_119 = arith.constant 640 : i32
    %mul3A_120 = arith.muli %arg1, %mul3A_119 : i32
    "tpu.region"() ({
      %run_scoped3A = tpu.sem_alloc : memref<!tpu.dma_semaphore, #tpu.memory_space<semaphore_mem>>
      %dma_start3A_158 = tpu.memref_slice %arg20[%mul3A_120] : memref<10240xf32, #tpu.memory_space<vmem_shared>> -> memref<640xf32, #tpu.memory_space<vmem_shared>>
      %dma_start3A_159 = tpu.memref_slice %arg20[%mul3A_120] : memref<10240xf32, #tpu.memory_space<vmem_shared>> -> memref<640xf32, #tpu.memory_space<vmem_shared>>
      tpu.enqueue_dma source(%arg14 : memref<640xf32, #tpu.memory_space<vmem>>) target(%dma_start3A_159 : memref<640xf32, #tpu.memory_space<vmem_shared>>) target_semaphore(%run_scoped3A : memref<!tpu.dma_semaphore, #tpu.memory_space<semaphore_mem>>)
      %dma_wait3A_160 = tpu.memref_slice %arg20[%mul3A_120] : memref<10240xf32, #tpu.memory_space<vmem_shared>> -> memref<640xf32, #tpu.memory_space<vmem_shared>>
      %dma_wait3A_161 = tpu.memref_slice %arg20[%mul3A_120] : memref<10240xf32, #tpu.memory_space<vmem_shared>> -> memref<640xf32, #tpu.memory_space<vmem_shared>>
      tpu.wait_dma2 semaphore(%run_scoped3A : memref<!tpu.dma_semaphore, #tpu.memory_space<semaphore_mem>>) src(%arg14 : memref<640xf32, #tpu.memory_space<vmem>>) dst(%dma_wait3A_161 : memref<640xf32, #tpu.memory_space<vmem_shared>>)
      tpu.yield
    }) : () -> ()
    %barrier3A_121 = arith.constant 0 : index
    tpu.barrier barrier_id(%barrier3A_121)
    "tpu.region"() ({
      %run_scoped3A = tpu.sem_alloc : memref<!tpu.dma_semaphore, #tpu.memory_space<semaphore_mem>>
      tpu.enqueue_dma source(%arg20 : memref<10240xf32, #tpu.memory_space<vmem_shared>>) target(%arg12 : memref<10240xf32, #tpu.memory_space<vmem>>) target_semaphore(%run_scoped3A : memref<!tpu.dma_semaphore, #tpu.memory_space<semaphore_mem>>)
      tpu.wait_dma2 semaphore(%run_scoped3A : memref<!tpu.dma_semaphore, #tpu.memory_space<semaphore_mem>>) src(%arg20 : memref<10240xf32, #tpu.memory_space<vmem_shared>>) dst(%arg12 : memref<10240xf32, #tpu.memory_space<vmem>>)
      tpu.yield
    }) : () -> ()
    %dma_wait3A_122 = arith.constant 0 : i32
    %dma_wait3A_123 = arith.constant 0 : i32
    %dma_wait3A_124 = tpu.memref_slice %arg5[%dma_wait3A_122, %dma_wait3A_123] : memref<2x10000xf32, #tpu.memory_space<hbm>> -> memref<1x10000xf32, #tpu.memory_space<hbm>>
    %dma_wait3A_125 = tpu.memref_squeeze %dma_wait3A_124 : memref<1x10000xf32, #tpu.memory_space<hbm>> -> memref<10000xf32, #tpu.memory_space<hbm>>
    %dma_wait3A_126 = arith.constant 0 : i32
    %dma_wait3A_127 = tpu.memref_slice %arg5[%dma_wait3A_122, %dma_wait3A_126] : memref<2x10000xf32, #tpu.memory_space<hbm>> -> memref<1x10000xf32, #tpu.memory_space<hbm>>
    %dma_wait3A_128 = tpu.memref_squeeze %dma_wait3A_127 : memref<1x10000xf32, #tpu.memory_space<hbm>> -> memref<10000xf32, #tpu.memory_space<hbm>>
    tpu.wait_dma2 semaphore(%arg24 : memref<!tpu.dma_semaphore, #tpu.memory_space<semaphore_mem>>) src(%dma_wait3A_128 : memref<10000xf32, #tpu.memory_space<hbm>>) dst(%arg15 : memref<10000xf32, #tpu.memory_space<vmem>>)
    %dma_wait3A_129 = arith.constant 1 : i32
    %dma_wait3A_130 = arith.constant 0 : i32
    %dma_wait3A_131 = tpu.memref_slice %arg5[%dma_wait3A_129, %dma_wait3A_130] : memref<2x10000xf32, #tpu.memory_space<hbm>> -> memref<1x10000xf32, #tpu.memory_space<hbm>>
    %dma_wait3A_132 = tpu.memref_squeeze %dma_wait3A_131 : memref<1x10000xf32, #tpu.memory_space<hbm>> -> memref<10000xf32, #tpu.memory_space<hbm>>
    %dma_wait3A_133 = arith.constant 0 : i32
    %dma_wait3A_134 = tpu.memref_slice %arg5[%dma_wait3A_129, %dma_wait3A_133] : memref<2x10000xf32, #tpu.memory_space<hbm>> -> memref<1x10000xf32, #tpu.memory_space<hbm>>
    %dma_wait3A_135 = tpu.memref_squeeze %dma_wait3A_134 : memref<1x10000xf32, #tpu.memory_space<hbm>> -> memref<10000xf32, #tpu.memory_space<hbm>>
    tpu.wait_dma2 semaphore(%arg25 : memref<!tpu.dma_semaphore, #tpu.memory_space<semaphore_mem>>) src(%dma_wait3A_135 : memref<10000xf32, #tpu.memory_space<hbm>>) dst(%arg16 : memref<10000xf32, #tpu.memory_space<vmem>>)
    %parallel_loop3A_136 = arith.constant 0 : i32
    %parallel_loop3A_137 = arith.constant 625 : i32
    %parallel_loop3A_138 = arith.constant 1 : i32
    scf.for %parallel_loop3A_158 = %parallel_loop3A_136 to %parallel_loop3A_137 step %parallel_loop3A_138  : i32 {
      %parallel_loop3A_159 = arith.constant 16 : i32
      %parallel_loop3A_160 = arith.muli %parallel_loop3A_158, %parallel_loop3A_159 : i32
      %parallel_loop3A_161 = arith.index_cast %parallel_loop3A_160 : i32 to index
      %parallel_loop3A_162 = tpu.vector_load %arg12[%parallel_loop3A_161] {strides = array<i32>} : memref<10240xf32, #tpu.memory_space<vmem>>, vector<16xf32>,
      %parallel_loop3A_163 = arith.index_cast %parallel_loop3A_160 : i32 to index
      %parallel_loop3A_164 = tpu.vector_load %arg15[%parallel_loop3A_163] {strides = array<i32>} : memref<10000xf32, #tpu.memory_space<vmem>>, vector<16xf32>,
      %parallel_loop3A_165 = arith.mulf %parallel_loop3A_164, %parallel_loop3A_162 : vector<16xf32>
      %parallel_loop3A_166 = arith.index_cast %parallel_loop3A_160 : i32 to index
      %parallel_loop3A_167 = tpu.vector_load %arg15[%parallel_loop3A_166] {strides = array<i32>} : memref<10000xf32, #tpu.memory_space<vmem>>, vector<16xf32>,
      tpu.vector_store %arg15[%parallel_loop3A_166], %parallel_loop3A_165 {strides = array<i32>} : memref<10000xf32, #tpu.memory_space<vmem>>, vector<16xf32>,
      %parallel_loop3A_168 = arith.index_cast %parallel_loop3A_160 : i32 to index
      %parallel_loop3A_169 = tpu.vector_load %arg16[%parallel_loop3A_168] {strides = array<i32>} : memref<10000xf32, #tpu.memory_space<vmem>>, vector<16xf32>,
      %parallel_loop3A_170 = arith.mulf %parallel_loop3A_169, %parallel_loop3A_162 : vector<16xf32>
      %parallel_loop3A_171 = arith.index_cast %parallel_loop3A_160 : i32 to index
      %parallel_loop3A_172 = tpu.vector_load %arg16[%parallel_loop3A_171] {strides = array<i32>} : memref<10000xf32, #tpu.memory_space<vmem>>, vector<16xf32>,
      tpu.vector_store %arg16[%parallel_loop3A_171], %parallel_loop3A_170 {strides = array<i32>} : memref<10000xf32, #tpu.memory_space<vmem>>, vector<16xf32>,
      %parallel_loop3A_173 = arith.constant 0.000000e+00 : f32
      %parallel_loop3A_174 = vector.broadcast %parallel_loop3A_173 : f32 to vector<16xf32>
      %parallel_loop3A_175 = arith.index_cast %parallel_loop3A_160 : i32 to index
      %parallel_loop3A_176 = tpu.vector_load %arg17[%parallel_loop3A_175] {strides = array<i32>} : memref<10000xf32, #tpu.memory_space<vmem>>, vector<16xf32>,
      tpu.vector_store %arg17[%parallel_loop3A_175], %parallel_loop3A_174 {strides = array<i32>} : memref<10000xf32, #tpu.memory_space<vmem>>, vector<16xf32>,
      %parallel_loop3A_177 = arith.constant 0.000000e+00 : f32
      %parallel_loop3A_178 = vector.broadcast %parallel_loop3A_177 : f32 to vector<16xf32>
      %parallel_loop3A_179 = arith.index_cast %parallel_loop3A_160 : i32 to index
      %parallel_loop3A_180 = tpu.vector_load %arg18[%parallel_loop3A_179] {strides = array<i32>} : memref<10000xf32, #tpu.memory_space<vmem>>, vector<16xf32>,
      tpu.vector_store %arg18[%parallel_loop3A_179], %parallel_loop3A_178 {strides = array<i32>} : memref<10000xf32, #tpu.memory_space<vmem>>, vector<16xf32>,
    } {sc.loop_unroll_factor = 4 : i64, sc.parallel_access}
    %dma_wait3A_139 = tpu.memref_slice %arg2[%mul3A_17] : memref<320000xi32, #tpu.memory_space<hbm>> -> memref<10000xi32, #tpu.memory_space<hbm>>
    %dma_wait3A_140 = tpu.memref_slice %arg2[%mul3A_17] : memref<320000xi32, #tpu.memory_space<hbm>> -> memref<10000xi32, #tpu.memory_space<hbm>>
    tpu.wait_dma2 semaphore(%arg21 : memref<!tpu.dma_semaphore, #tpu.memory_space<semaphore_mem>>) src(%dma_wait3A_140 : memref<10000xi32, #tpu.memory_space<hbm>>) dst(%arg11 : memref<10000xi32, #tpu.memory_space<vmem>>)
    %dma_wait3A_141 = arith.constant 0 : i32
    %dma_wait3A_142 = tpu.memref_slice %arg9[%dma_wait3A_141] : memref<20000xi32, #tpu.memory_space<vmem>> -> memref<10000xi32, #tpu.memory_space<vmem>>
    %dma_wait3A_143 = tpu.memref_slice %arg3[%mul3A_21] : memref<320000xi32, #tpu.memory_space<hbm>> -> memref<10000xi32, #tpu.memory_space<hbm>>
    %dma_wait3A_144 = arith.constant 0 : i32
    %dma_wait3A_145 = tpu.memref_slice %arg9[%dma_wait3A_144] : memref<20000xi32, #tpu.memory_space<vmem>> -> memref<10000xi32, #tpu.memory_space<vmem>>
    %dma_wait3A_146 = tpu.memref_slice %arg3[%mul3A_21] : memref<320000xi32, #tpu.memory_space<hbm>> -> memref<10000xi32, #tpu.memory_space<hbm>>
    tpu.wait_dma2 semaphore(%arg22 : memref<!tpu.dma_semaphore, #tpu.memory_space<semaphore_mem>>) src(%dma_wait3A_146 : memref<10000xi32, #tpu.memory_space<hbm>>) dst(%dma_wait3A_145 : memref<10000xi32, #tpu.memory_space<vmem>>)
    %dma_wait3A_147 = arith.constant 0 : i32
    %dma_wait3A_148 = tpu.memref_slice %arg10[%dma_wait3A_147] : memref<20000xf32, #tpu.memory_space<vmem>> -> memref<10000xf32, #tpu.memory_space<vmem>>
    %dma_wait3A_149 = tpu.memref_slice %arg4[%mul3A_29] : memref<320000xf32, #tpu.memory_space<hbm>> -> memref<10000xf32, #tpu.memory_space<hbm>>
    %dma_wait3A_150 = arith.constant 0 : i32
    %dma_wait3A_151 = tpu.memref_slice %arg10[%dma_wait3A_150] : memref<20000xf32, #tpu.memory_space<vmem>> -> memref<10000xf32, #tpu.memory_space<vmem>>
    %dma_wait3A_152 = tpu.memref_slice %arg4[%mul3A_29] : memref<320000xf32, #tpu.memory_space<hbm>> -> memref<10000xf32, #tpu.memory_space<hbm>>
    tpu.wait_dma2 semaphore(%arg23 : memref<!tpu.dma_semaphore, #tpu.memory_space<semaphore_mem>>) src(%dma_wait3A_152 : memref<10000xf32, #tpu.memory_space<hbm>>) dst(%dma_wait3A_151 : memref<10000xf32, #tpu.memory_space<vmem>>)
    %parallel_loop3A_153 = arith.constant 0 : i32
    %parallel_loop3A_154 = arith.constant 625 : i32
    %parallel_loop3A_155 = arith.constant 1 : i32
    scf.for %parallel_loop3A_158 = %parallel_loop3A_153 to %parallel_loop3A_154 step %parallel_loop3A_155  : i32 {
      %parallel_loop3A_159 = arith.constant 16 : i32
      %parallel_loop3A_160 = arith.muli %parallel_loop3A_158, %parallel_loop3A_159 : i32
      %parallel_loop3A_161 = arith.index_cast %parallel_loop3A_160 : i32 to index
      %parallel_loop3A_162 = tpu.vector_load %arg11[%parallel_loop3A_161] {strides = array<i32>} : memref<10000xi32, #tpu.memory_space<vmem>>, vector<16xi32>,
      %parallel_loop3A_163 = arith.constant 16 : i32
      %parallel_loop3A_164 = arith.muli %parallel_loop3A_158, %parallel_loop3A_163 : i32
      %parallel_loop3A_165 = arith.index_cast %parallel_loop3A_164 : i32 to index
      %parallel_loop3A_166 = tpu.vector_load %arg9[%parallel_loop3A_165] {strides = array<i32>} : memref<20000xi32, #tpu.memory_space<vmem>>, vector<16xi32>,
      %parallel_loop3A_167 = arith.constant 16 : i32
      %parallel_loop3A_168 = arith.muli %parallel_loop3A_158, %parallel_loop3A_167 : i32
      %parallel_loop3A_169 = arith.index_cast %parallel_loop3A_168 : i32 to index
      %parallel_loop3A_170 = tpu.vector_load %arg10[%parallel_loop3A_169] {strides = array<i32>} : memref<20000xf32, #tpu.memory_space<vmem>>, vector<16xf32>,
      %parallel_loop3A_171 = tpu.vector_load_idx %arg15[%parallel_loop3A_162] : memref<10000xf32, #tpu.memory_space<vmem>>[vector<16xi32>], vector<16xf32>,
      %parallel_loop3A_172 = arith.mulf %parallel_loop3A_171, %parallel_loop3A_170 : vector<16xf32>
      %parallel_loop3A_173 = tpu.vector_load_idx %arg16[%parallel_loop3A_162] : memref<10000xf32, #tpu.memory_space<vmem>>[vector<16xi32>], vector<16xf32>,
      %parallel_loop3A_174 = arith.mulf %parallel_loop3A_173, %parallel_loop3A_170 : vector<16xf32>
      tpu.vector_store_idx %arg17[%parallel_loop3A_166], %parallel_loop3A_172 {add = true} : memref<10000xf32, #tpu.memory_space<vmem>>[vector<16xi32>], vector<16xf32>,
      tpu.vector_store_idx %arg18[%parallel_loop3A_166], %parallel_loop3A_174 {add = true} : memref<10000xf32, #tpu.memory_space<vmem>>[vector<16xi32>], vector<16xf32>,
    } {sc.loop_unroll_factor = 4 : i64, sc.parallel_access}
    "tpu.region"() ({
      %run_scoped3A = tpu.sem_alloc : memref<!tpu.dma_semaphore, #tpu.memory_space<semaphore_mem>>
      %dma_start3A_158 = arith.constant 0 : i32
      %dma_start3A_159 = tpu.memref_slice %arg6[%add3A, %dma_start3A_158] : memref<32x10000xf32, #tpu.memory_space<hbm>> -> memref<1x10000xf32, #tpu.memory_space<hbm>>
      %dma_start3A_160 = tpu.memref_squeeze %dma_start3A_159 : memref<1x10000xf32, #tpu.memory_space<hbm>> -> memref<10000xf32, #tpu.memory_space<hbm>>
      %dma_start3A_161 = arith.constant 0 : i32
      %dma_start3A_162 = tpu.memref_slice %arg6[%add3A, %dma_start3A_161] : memref<32x10000xf32, #tpu.memory_space<hbm>> -> memref<1x10000xf32, #tpu.memory_space<hbm>>
      %dma_start3A_163 = tpu.memref_squeeze %dma_start3A_162 : memref<1x10000xf32, #tpu.memory_space<hbm>> -> memref<10000xf32, #tpu.memory_space<hbm>>
      tpu.enqueue_dma source(%arg17 : memref<10000xf32, #tpu.memory_space<vmem>>) target(%dma_start3A_163 : memref<10000xf32, #tpu.memory_space<hbm>>) target_semaphore(%run_scoped3A : memref<!tpu.dma_semaphore, #tpu.memory_space<semaphore_mem>>)
      %dma_wait3A_164 = arith.constant 0 : i32
      %dma_wait3A_165 = tpu.memref_slice %arg6[%add3A, %dma_wait3A_164] : memref<32x10000xf32, #tpu.memory_space<hbm>> -> memref<1x10000xf32, #tpu.memory_space<hbm>>
      %dma_wait3A_166 = tpu.memref_squeeze %dma_wait3A_165 : memref<1x10000xf32, #tpu.memory_space<hbm>> -> memref<10000xf32, #tpu.memory_space<hbm>>
      %dma_wait3A_167 = arith.constant 0 : i32
      %dma_wait3A_168 = tpu.memref_slice %arg6[%add3A, %dma_wait3A_167] : memref<32x10000xf32, #tpu.memory_space<hbm>> -> memref<1x10000xf32, #tpu.memory_space<hbm>>
      %dma_wait3A_169 = tpu.memref_squeeze %dma_wait3A_168 : memref<1x10000xf32, #tpu.memory_space<hbm>> -> memref<10000xf32, #tpu.memory_space<hbm>>
      tpu.wait_dma2 semaphore(%run_scoped3A : memref<!tpu.dma_semaphore, #tpu.memory_space<semaphore_mem>>) src(%arg17 : memref<10000xf32, #tpu.memory_space<vmem>>) dst(%dma_wait3A_169 : memref<10000xf32, #tpu.memory_space<hbm>>)
      tpu.yield
    }) : () -> ()
    "tpu.region"() ({
      %run_scoped3A = tpu.sem_alloc : memref<!tpu.dma_semaphore, #tpu.memory_space<semaphore_mem>>
      %dma_start3A_158 = arith.constant 0 : i32
      %dma_start3A_159 = tpu.memref_slice %arg7[%add3A, %dma_start3A_158] : memref<32x10000xf32, #tpu.memory_space<hbm>> -> memref<1x10000xf32, #tpu.memory_space<hbm>>
      %dma_start3A_160 = tpu.memref_squeeze %dma_start3A_159 : memref<1x10000xf32, #tpu.memory_space<hbm>> -> memref<10000xf32, #tpu.memory_space<hbm>>
      %dma_start3A_161 = arith.constant 0 : i32
      %dma_start3A_162 = tpu.memref_slice %arg7[%add3A, %dma_start3A_161] : memref<32x10000xf32, #tpu.memory_space<hbm>> -> memref<1x10000xf32, #tpu.memory_space<hbm>>
      %dma_start3A_163 = tpu.memref_squeeze %dma_start3A_162 : memref<1x10000xf32, #tpu.memory_space<hbm>> -> memref<10000xf32, #tpu.memory_space<hbm>>
      tpu.enqueue_dma source(%arg18 : memref<10000xf32, #tpu.memory_space<vmem>>) target(%dma_start3A_163 : memref<10000xf32, #tpu.memory_space<hbm>>) target_semaphore(%run_scoped3A : memref<!tpu.dma_semaphore, #tpu.memory_space<semaphore_mem>>)
      %dma_wait3A_164 = arith.constant 0 : i32
      %dma_wait3A_165 = tpu.memref_slice %arg7[%add3A, %dma_wait3A_164] : memref<32x10000xf32, #tpu.memory_space<hbm>> -> memref<1x10000xf32, #tpu.memory_space<hbm>>
      %dma_wait3A_166 = tpu.memref_squeeze %dma_wait3A_165 : memref<1x10000xf32, #tpu.memory_space<hbm>> -> memref<10000xf32, #tpu.memory_space<hbm>>
      %dma_wait3A_167 = arith.constant 0 : i32
      %dma_wait3A_168 = tpu.memref_slice %arg7[%add3A, %dma_wait3A_167] : memref<32x10000xf32, #tpu.memory_space<hbm>> -> memref<1x10000xf32, #tpu.memory_space<hbm>>
      %dma_wait3A_169 = tpu.memref_squeeze %dma_wait3A_168 : memref<1x10000xf32, #tpu.memory_space<hbm>> -> memref<10000xf32, #tpu.memory_space<hbm>>
      tpu.wait_dma2 semaphore(%run_scoped3A : memref<!tpu.dma_semaphore, #tpu.memory_space<semaphore_mem>>) src(%arg18 : memref<10000xf32, #tpu.memory_space<vmem>>) dst(%dma_wait3A_169 : memref<10000xf32, #tpu.memory_space<hbm>>)
      tpu.yield
    }) : () -> ()
    %eq3A = arith.constant 0 : i32
    %eq3A_156 = arith.cmpi eq, %add3A, %eq3A : i32
    %convert_element_type3A = arith.extui %eq3A_156 : i1 to i32
    %cond3A = arith.constant 0 : i32
    %cond3A_157 = arith.cmpi ne, %convert_element_type3A, %cond3A : i32
    scf.if %cond3A_157 {
      "tpu.region"() ({
        %run_scoped3A = tpu.sem_alloc : memref<!tpu.dma_semaphore, #tpu.memory_space<semaphore_mem>>
        %dma_start3A_158 = arith.constant 0 : i32
        %dma_start3A_159 = tpu.memref_slice %arg12[%dma_start3A_158] : memref<10240xf32, #tpu.memory_space<vmem>> -> memref<10000xf32, #tpu.memory_space<vmem>>
        %dma_start3A_160 = arith.constant 0 : i32
        %dma_start3A_161 = tpu.memref_slice %arg12[%dma_start3A_160] : memref<10240xf32, #tpu.memory_space<vmem>> -> memref<10000xf32, #tpu.memory_space<vmem>>
        tpu.enqueue_dma source(%dma_start3A_161 : memref<10000xf32, #tpu.memory_space<vmem>>) target(%arg8 : memref<10000xf32, #tpu.memory_space<hbm>>) target_semaphore(%run_scoped3A : memref<!tpu.dma_semaphore, #tpu.memory_space<semaphore_mem>>)
        %dma_wait3A_162 = arith.constant 0 : i32
        %dma_wait3A_163 = tpu.memref_slice %arg12[%dma_wait3A_162] : memref<10240xf32, #tpu.memory_space<vmem>> -> memref<10000xf32, #tpu.memory_space<vmem>>
        %dma_wait3A_164 = arith.constant 0 : i32
        %dma_wait3A_165 = tpu.memref_slice %arg12[%dma_wait3A_164] : memref<10240xf32, #tpu.memory_space<vmem>> -> memref<10000xf32, #tpu.memory_space<vmem>>
        tpu.wait_dma2 semaphore(%run_scoped3A : memref<!tpu.dma_semaphore, #tpu.memory_space<semaphore_mem>>) src(%dma_wait3A_165 : memref<10000xf32, #tpu.memory_space<vmem>>) dst(%arg8 : memref<10000xf32, #tpu.memory_space<hbm>>)
        tpu.yield
      }) : () -> ()
    } else {
    }
    return
  }
}

module attributes {stable_mosaic.version = 14 : i64} {
  func.func @_tc_mm_body(%arg0: memref<2x128xf32, #tpu.memory_space<vmem>>, %arg1: memref<10000x128xf32, #tpu.memory_space<vmem>>, %arg2: memref<2x10000xf32, #tpu.memory_space<vmem>>) attributes {dimension_semantics = [], scalar_prefetch = 0 : i64, scratch_operands = 0 : i64, tpu.core_type = #tpu.core_type<tc>} {
    %get3A = arith.constant 0 : index
    %get3A_0 = arith.constant 0 : index
    %get3A_1 = vector.load %arg0[%get3A, %get3A_0] : memref<2x128xf32, #tpu.memory_space<vmem>>, vector<2x128xf32>
    %get3A_2 = arith.constant 0 : index
    %get3A_3 = arith.constant 0 : index
    %get3A_4 = vector.load %arg1[%get3A_2, %get3A_3] : memref<10000x128xf32, #tpu.memory_space<vmem>>, vector<10000x128xf32>
    %dot_general3A = arith.constant dense<0.000000e+00> : vector<2x10000xf32>
    %dot_general3A_5 = tpu.matmul %get3A_1, %get3A_4, %dot_general3A {dimension_numbers = #tpu.dot_dimension_numbers<[1], [1], [0], [0], [0, 0, 1, 0], [], []>, transpose_lhs_hint = false} : vector<2x128xf32>, vector<10000x128xf32>, vector<2x10000xf32> -> vector<2x10000xf32>
    %swap3A = arith.constant 0 : index
    %swap3A_6 = arith.constant 0 : index
    %swap3A_7 = vector.load %arg2[%swap3A, %swap3A_6] : memref<2x10000xf32, #tpu.memory_space<vmem>>, vector<2x10000xf32>
    tpu.vector_store %arg2[%swap3A, %swap3A_6], %dot_general3A_5 {strides = array<i32>} : memref<2x10000xf32, #tpu.memory_space<vmem>>, vector<2x10000xf32>,
    return
  }
}

module attributes {stable_mosaic.version = 14 : i64} {
  func.func @_tc_final_body(%arg0: memref<32x80x125xf32, #tpu.memory_space<vmem>>, %arg1: memref<32x80x125xf32, #tpu.memory_space<vmem>>, %arg2: memref<80x125xf32, #tpu.memory_space<vmem>>, %arg3: memref<80x125xf32, #tpu.memory_space<vmem>>, %arg4: memref<80x125xf32, #tpu.memory_space<vmem>>, %arg5: memref<80x125xf32, #tpu.memory_space<vmem>>, %arg6: memref<80x125xf32, #tpu.memory_space<vmem>>, %arg7: memref<2xf32, #tpu.memory_space<smem>>, %arg8: memref<1xf32, #tpu.memory_space<smem>>, %arg9: memref<1x1xf32, #tpu.memory_space<smem>>) attributes {dimension_semantics = [], scalar_prefetch = 0 : i64, scratch_operands = 0 : i64, tpu.core_type = #tpu.core_type<tc>} {
    %get3A = arith.constant 0 : index
    %get3A_0 = arith.constant 0 : index
    %get3A_1 = vector.load %arg4[%get3A, %get3A_0] : memref<80x125xf32, #tpu.memory_space<vmem>>, vector<80x125xf32>
    %get3A_2 = arith.constant 0 : index
    %get3A_3 = arith.constant 0 : index
    %get3A_4 = arith.constant 0 : index
    %get3A_5 = vector.load %arg0[%get3A_2, %get3A_3, %get3A_4] : memref<32x80x125xf32, #tpu.memory_space<vmem>>, vector<32x80x125xf32>
    %reduce_sum3A = arith.constant dense<0.000000e+00> : vector<80x125xf32>
    %reduce_sum3A_6 = vector.multi_reduction <add>, %get3A_5, %reduce_sum3A [0] : vector<32x80x125xf32> to vector<80x125xf32>
    %get3A_7 = arith.constant 0 : index
    %get3A_8 = arith.constant 0 : index
    %get3A_9 = arith.constant 0 : index
    %get3A_10 = vector.load %arg1[%get3A_7, %get3A_8, %get3A_9] : memref<32x80x125xf32, #tpu.memory_space<vmem>>, vector<32x80x125xf32>
    %reduce_sum3A_11 = arith.constant dense<0.000000e+00> : vector<80x125xf32>
    %reduce_sum3A_12 = vector.multi_reduction <add>, %get3A_10, %reduce_sum3A_11 [0] : vector<32x80x125xf32> to vector<80x125xf32>
    %get3A_13 = arith.constant 0 : index
    %get3A_14 = arith.constant 0 : index
    %get3A_15 = vector.load %arg2[%get3A_13, %get3A_14] : memref<80x125xf32, #tpu.memory_space<vmem>>, vector<80x125xf32>
    %mul3A = arith.mulf %get3A_15, %get3A_1 : vector<80x125xf32>
    %add3A = arith.addf %reduce_sum3A_6, %mul3A : vector<80x125xf32>
    %mul3A_16 = arith.mulf %get3A_1, %add3A : vector<80x125xf32>
    %get3A_17 = arith.constant 0 : index
    %get3A_18 = memref.load %arg7[%get3A_17] : memref<2xf32, #tpu.memory_space<smem>>
    %add3A_19 = vector.broadcast %get3A_18 : f32 to vector<80x125xf32>
    %add3A_20 = arith.addf %mul3A_16, %add3A_19 : vector<80x125xf32>
    %max3A = arith.constant 0.000000e+00 : f32
    %max3A_21 = vector.broadcast %max3A : f32 to vector<80x125xf32>
    %max3A_22 = arith.maximumf %add3A_20, %max3A_21 : vector<80x125xf32>
    %get3A_23 = arith.constant 0 : index
    %get3A_24 = arith.constant 0 : index
    %get3A_25 = vector.load %arg3[%get3A_23, %get3A_24] : memref<80x125xf32, #tpu.memory_space<vmem>>, vector<80x125xf32>
    %mul3A_26 = arith.mulf %get3A_25, %get3A_1 : vector<80x125xf32>
    %add3A_27 = arith.addf %reduce_sum3A_12, %mul3A_26 : vector<80x125xf32>
    %mul3A_28 = arith.mulf %get3A_1, %add3A_27 : vector<80x125xf32>
    %get3A_29 = arith.constant 1 : index
    %get3A_30 = memref.load %arg7[%get3A_29] : memref<2xf32, #tpu.memory_space<smem>>
    %add3A_31 = vector.broadcast %get3A_30 : f32 to vector<80x125xf32>
    %add3A_32 = arith.addf %mul3A_28, %add3A_31 : vector<80x125xf32>
    %max3A_33 = arith.constant 0.000000e+00 : f32
    %max3A_34 = vector.broadcast %max3A_33 : f32 to vector<80x125xf32>
    %max3A_35 = arith.maximumf %add3A_32, %max3A_34 : vector<80x125xf32>
    %get3A_36 = arith.constant 0 : index
    %get3A_37 = arith.constant 0 : index
    %get3A_38 = vector.load %arg5[%get3A_36, %get3A_37] : memref<80x125xf32, #tpu.memory_space<vmem>>, vector<80x125xf32>
    %mul3A_39 = arith.mulf %max3A_22, %get3A_38 : vector<80x125xf32>
    %reduce_sum3A_40 = vector.shape_cast %mul3A_39 : vector<80x125xf32> to vector<1x80x125xf32>
    %reduce_sum3A_41 = arith.constant dense<0.000000e+00> : vector<1xf32>
    %reduce_sum3A_42 = vector.multi_reduction <add>, %reduce_sum3A_40, %reduce_sum3A_41 [1, 2] : vector<1x80x125xf32> to vector<1xf32>
    %reduce_sum3A_43 = vector.shape_cast %reduce_sum3A_42 : vector<1xf32> to vector<1x1x1xf32>
    %reduce_sum3A_44 = vector.extract %reduce_sum3A_43[0, 0, 0] : f32 from vector<1x1x1xf32>
    %get3A_45 = arith.constant 0 : index
    %get3A_46 = arith.constant 0 : index
    %get3A_47 = vector.load %arg6[%get3A_45, %get3A_46] : memref<80x125xf32, #tpu.memory_space<vmem>>, vector<80x125xf32>
    %mul3A_48 = arith.mulf %max3A_35, %get3A_47 : vector<80x125xf32>
    %reduce_sum3A_49 = vector.shape_cast %mul3A_48 : vector<80x125xf32> to vector<1x80x125xf32>
    %reduce_sum3A_50 = arith.constant dense<0.000000e+00> : vector<1xf32>
    %reduce_sum3A_51 = vector.multi_reduction <add>, %reduce_sum3A_49, %reduce_sum3A_50 [1, 2] : vector<1x80x125xf32> to vector<1xf32>
    %reduce_sum3A_52 = vector.shape_cast %reduce_sum3A_51 : vector<1xf32> to vector<1x1x1xf32>
    %reduce_sum3A_53 = vector.extract %reduce_sum3A_52[0, 0, 0] : f32 from vector<1x1x1xf32>
    %add3A_54 = arith.addf %reduce_sum3A_44, %reduce_sum3A_53 : f32
    %get3A_55 = arith.constant 0 : index
    %get3A_56 = memref.load %arg8[%get3A_55] : memref<1xf32, #tpu.memory_space<smem>>
    %add3A_57 = arith.addf %add3A_54, %get3A_56 : f32
    %neg3A = arith.constant 0.000000e+00 : f32
    %neg3A_58 = arith.subf %neg3A, %add3A_57 : f32
    %exp3A = math.exp %neg3A_58 : f32
    %add3A_59 = arith.constant 1.000000e+00 : f32
    %add3A_60 = arith.addf %add3A_59, %exp3A : f32
    %div3A = arith.constant 1.000000e+00 : f32
    %div3A_61 = arith.divf %div3A, %add3A_60 : f32
    %swap3A = arith.constant 0 : index
    %swap3A_62 = arith.constant 0 : index
    %swap3A_63 = memref.load %arg9[%swap3A, %swap3A_62] : memref<1x1xf32, #tpu.memory_space<smem>>
    memref.store %div3A_61, %arg9[%swap3A, %swap3A_62] : memref<1x1xf32, #tpu.memory_space<smem>>
    return
  }
}

</mosaic_0001>

<sc_bundles>
// kernel: kernel.5.cloned.1.call-start
scs
__scs_entry_jumppad:
0x0: {  	(pc) =	sbr.rel $0x88, $3  }
0x1: {  	(tag) =	ssettag $0x0;
	lr =	simm.s32 $0x1  }
0x2: {  	[smem:$0x3F9A] =	sst lr;
	_ =	strace $0xD0000000  }
0x3: {  	_ = 	snop  }
0x4: {  	_ = 	snop  }
0x5: {  	_ = 	snop  }
0x6: {  	_ = 	snop  }
0x7: {  	_ = 	snop  }
__scs_overlays_trampoline_lowered:
0x8: {  	[smem:$0x3FA9] =	sst s0  }
0x9: {  	[smem:$0x3FAA] =	sst s1  }
0xa: {  	[smem:$0x3FAB] =	sst s2  }
0xb: {  	[smem:$0x3FAC] =	sst s3  }
0xc: {  	[smem:$0x3FAD] =	sst s4  }
0xd: {  	[smem:$0x3FAE] =	sst s5  }
0xe: {  	[smem:$0x3FAF] =	sst s6  }
0xf: {  	[smem:$0x3FB0] =	sst s7  }
0x10: {  	[smem:$0x3FB1] =	sst s8  }
0x11: {  	[smem:$0x3FB2] =	sst s9;
	s0 =	simm.s32 @!p0 $0x0  }
0x12: {  	s1 =	sld [smem:$0x3F98];
	s0 =	simm.s32 @p0 $0x1  }
0x13: {  	[smem:$0x3FB3] =	sst s0;
	s0 =	simm.s32 @!p1 $0x0  }
0x14: {  	s2 =	sld [smem:$0x3F97];
	s0 =	simm.s32 @p1 $0x1  }
0x15: {  	[smem:$0x3FB4] =	sst s0;
	s0 =	simm.s32 @!p2 $0x0  }
0x16: {  	s3 =	sld [smem:$0x3FDB];
	s0 =	simm.s32 @p2 $0x1  }
0x17: {  	s4 =	simm.s32 $0x1BF5;
	[smem:$0x3FB6] =	sst s0  }
0x18: {  	s0 =	sld [smem:$0x3F99];
	_ =	swait.ge [sflag:s4], $0x0  }
0x19: {  	s7 =	sld [smem:$0x3F9A]  }
0x1a: {  	s8 =	sadd.s32 $0xFFFFE003, lr  }
0x1b: {  	s9 =	sadd.s32 $0xFFFFFEF7, lr;
	s5 =	simm.s32 $0xFFFFFFFF;
	p2 =	slt.u32 s8, $0xFFFFF086  }
0x1c: {  	p1 =	slt.u32 s9, $0xF7A;
	s5 =	simm.s32 @!p2 $0x0  }
0x1d: {  	s5 =	simm.s32 @p1 $0x1;
	p0 =	seq.s32 s7, s2  }
0x1e: {  	s7 =	smul.u32 @!p0 $0xF7A, s2;
	p2 =	seq.s32 @!p0 s5, $0x0  }
0x1f: {  	s9 =	smul.u32 $0xF7A, s1;
	s8 =	simm.s32 @!p0 $0x1BF5;
	p2 =	por !p2, p0  }
0x20: {  	[sflag:s8] =	ssyncset.s32 @!p0 $0xFFFFF086;
	s6 =	sadd.s32 @!p0 s3, s7;
	s7 =	simm.s32 @!p0 $0x108  }
0x21: {  	s3 =	sadd.s32 s3, s9;
	s6 =	sadd.s32 @!p0 $0x88, s6;
	s7 =	simm.s32 @p2 $0x1082  }
0x22: {  	[simem:s7], [sflag:s8] =	dma.local @!p0 [hbm:s6], $0xF7A  }
0x23: {  	s9 =	sor.u32 $0xD0000000, s2;
	s6 =	simm.s32 $0x108;
	_ =	swait.ge @!p0 [sflag:s8], $0x0  }
0x24: {  	s3 =	sadd.s32 $0x88, s3;
	s6 =	simm.s32 @!p1 $0x1082;
	[sflag:s4] =	ssyncset.s32 $0xFFFFF086  }
0x25: {  	[simem:s6], [sflag:s4] =	dma.local [hbm:s3], $0xF7A  }
0x26: {  	[smem:$0x3F9A] =	sst s1;
	(tag) =	ssettag s2;
	_ =	strace s9  }
0x27: {  	s1 =	sld [smem:$0x3FAA]  }
0x28: {  	s2 =	sld [smem:$0x3FAB]  }
0x29: {  	s4 =	sld [smem:$0x3FAD]  }
0x2a: {  	p0 =	seq.s32 s5, $0x0;
	s5 =	sld [smem:$0x3FAE]  }
0x2b: {  	s6 =	sld [smem:$0x3FAF]  }
0x2c: {  	s7 =	sld [smem:$0x3FB0]  }
0x2d: {  	s3 =	simm.s32 $0x108;
	s8 =	sld [smem:$0x3FB1]  }
0x2e: {  	s3 =	simm.s32 @!p0 $0x1082;
	s9 =	sld [smem:$0x3FB2]  }
0x2f: {  	lr =	sadd.s32 s0, s3;
	s0 =	sld [smem:$0x3FA9]  }
0x30: {  	s3 =	sld [smem:$0x3FAC]  }
0x31: {  	[smem:$0x3FB5] =	sst s10  }
0x32: {  	s10 =	sld [smem:$0x3FB3];
	_ =	sdelay $0x3  }
0x33: {  	p0 =	seq.s32 s10, $0x1;
	s10 =	sld [smem:$0x3FB5];
	_ =	sdelay $0x3  }
0x34: {  	[smem:$0x3FB5] =	sst s10  }
0x35: {  	s10 =	sld [smem:$0x3FB4];
	_ =	sdelay $0x3  }
0x36: {  	p1 =	seq.s32 s10, $0x1;
	s10 =	sld [smem:$0x3FB5];
	_ =	sdelay $0x3  }
0x37: {  	[smem:$0x3FB5] =	sst s10  }
0x38: {  	s10 =	sld [smem:$0x3FB6]  }
0x39: {  	_ = 	snop;
	(pc) =	sbr.ind lr, $3  }
0x3a: {  	_ = 	snop  }
0x3b: {  	_ = 	snop  }
0x3c: {  	p2 =	seq.s32 s10, $0x1;
	s10 =	sld [smem:$0x3FB5]  }
0x3d: {  	_ =	shalt  }
0x3e: {  	_ =	shalt  }
0x3f: {  	_ =	shalt  }
0x40: {  	_ =	shalt  }
0x41: {  	_ =	shalt  }
0x42: {  	_ =	shalt  }
0x43: {  	_ =	shalt  }
0x44: {  	_ =	shalt  }
0x45: {  	_ =	shalt  }
0x46: {  	_ =	shalt  }
0x47: {  	_ =	shalt  }
0x48: {  	_ =	shalt  }
0x49: {  	_ =	shalt  }
0x4a: {  	_ =	shalt  }
0x4b: {  	_ =	shalt  }
0x4c: {  	_ =	shalt  }
0x4d: {  	_ =	shalt  }
0x4e: {  	_ =	shalt  }
0x4f: {  	_ =	shalt  }
0x50: {  	_ =	shalt  }
0x51: {  	_ =	shalt  }
0x52: {  	_ =	shalt  }
0x53: {  	_ =	shalt  }
0x54: {  	_ =	shalt  }
0x55: {  	_ =	shalt  }
0x56: {  	_ =	shalt  }
0x57: {  	_ =	shalt  }
0x58: {  	_ =	shalt  }
0x59: {  	_ =	shalt  }
0x5a: {  	_ =	shalt  }
0x5b: {  	_ =	shalt  }
0x5c: {  	_ =	shalt  }
0x5d: {  	_ =	shalt  }
0x5e: {  	_ =	shalt  }
0x5f: {  	_ =	shalt  }
0x60: {  	_ =	shalt  }
0x61: {  	_ =	shalt  }
0x62: {  	_ =	shalt  }
0x63: {  	_ =	shalt  }
0x64: {  	_ =	shalt  }
0x65: {  	_ =	shalt  }
0x66: {  	_ =	shalt  }
0x67: {  	_ =	shalt  }
0x68: {  	_ =	shalt  }
0x69: {  	_ =	shalt  }
0x6a: {  	_ =	shalt  }
0x6b: {  	_ =	shalt  }
0x6c: {  	_ =	shalt  }
0x6d: {  	_ =	shalt  }
0x6e: {  	_ =	shalt  }
0x6f: {  	_ =	shalt  }
0x70: {  	_ =	shalt  }
0x71: {  	_ =	shalt  }
0x72: {  	_ =	shalt  }
0x73: {  	_ =	shalt  }
0x74: {  	_ =	shalt  }
0x75: {  	_ =	shalt  }
0x76: {  	_ =	shalt  }
0x77: {  	_ =	shalt  }
0x78: {  	_ =	shalt  }
0x79: {  	_ =	shalt  }
0x7a: {  	_ =	shalt  }
0x7b: {  	_ =	shalt  }
0x7c: {  	_ =	shalt  }
0x7d: {  	_ =	shalt  }
0x7e: {  	_ =	shalt  }
0x7f: {  	_ =	shalt  }
0x80: {  	_ =	shalt  }
0x81: {  	_ =	shalt  }
0x82: {  	_ =	shalt  }
0x83: {  	_ =	shalt  }
0x84: {  	_ =	shalt  }
0x85: {  	_ =	shalt  }
0x86: {  	_ =	shalt  }
0x87: {  	_ =	shalt  }
.Lfunc_end0:
.L_simem_size_0:
called_computation_lowered:
.L_overlay_start_0:
0x88: {  	s2 =	sld [smem:$0x3FD9]  }
0x89: {  	s3 =	sld [smem:$0x3FFE];
	_ =	sdelay $0x1  }
0x8a: {  	s1 =	srdreg.scid  }
0x8b: {  	s0 =	sand.u32 $0x1, s1  }
0x8c: {  	s17 =	sshll.u32 s0, $0xA;
	s2 =	sadd.s32 s3, s2  }
0x8d: {  	s2 =	sadd.s32 s2, s17  }
0x8e: {  	[smem:$0x3FC1] =	sst s2  }
0x8f: {  	_ = 	snop  }
0x90: {  	s2 =	sld [smem:$0x3FC7];
	(tm) =	ssettm $0x1  }
0x91: {  	s18 =	sld [smem:$0x3FFB];
	_ =	sdelay $0x3  }
0x92: {  	_ =	strace s18  }
0x93: {  	s3 =	sld [smem:$0x3FFC];
	_ =	sdelay $0x3  }
0x94: {  	_ =	strace s3  }
0x95: {  	s3 =	sld [smem:$0x3FFD];
	_ =	sdelay $0x3  }
0x96: {  	_ =	strace s3  }
0x97: {  	_ =	strace $0x8FFFFFFF  }
0x98: {  	s19 =	sld [smem:$0x3FDB];
	_ =	sdelay $0x1  }
0x99: {  	s4 =	simm.s32 $_scs_section_size  }
0x9a: {  	s5 =	simm.s32 $_size__tile_overlayer_lowered;
	s6 =	simm.s32 $_tile_overlayer_lowered  }
0x9b: {  	s22 =	simm.s32 $0x1BFF;
	s21 =	sshll.u32 s6, $0x1;
	s3 =	sadd.s32 s4, s19  }
0x9c: {  	s7 =	simm.s32 $0x0;
	s20 =	sshll.u32 s5, $0x1;
	s5 =	sadd.s32 s21, s3  }
0x9d: {  	[timem:s7], [sflag:s22] =	dma.local [hbm:s5], s20  }
0x9e: {  	_ =	swait.ge [sflag:s22], s20  }
0x9f: {  	s4 =	ssub.s32 $0x0, s20;
	[sflag:s22] =	ssyncset.done $0x0  }
0xa0: {  	[sflag:s22] =	ssyncadd.s32 s4;
	_ =	sdelay $0x1  }
0xa1: {  	s23 =	simm.s32 $0x1B8B  }
0xa2: {  	_ =	swait.ge [sflag:s23], $0x1  }
0xa3: {  	[sflag:s23] =	ssyncset.done $0x0  }
0xa4: {  	s25 =	simm.s32 $0x1B8E;
	s24 =	sld [smem:$0x3FFE];
	[sflag:s23] =	ssyncadd.s32 $0xFFFFFFFF  }
0xa5: {  	s26 =	simm.s32 $execute0_lowered;
	[smem:$0x3FD2] =	sst s25  }
0xa6: {  	s5 =	sshll.u32 s26, $0x1;
	_ =	strace $0x80000046;
	[dreg:$0x1] =	wrdreg $0xFFFFFFFF  }
0xa7: {  	s28 =	simm.s32 $_size_execute0_lowered;
	s3 =	sadd.s32 s3, s5;
	[dreg:$0x0] =	wrdreg $0x0  }
0xa8: {  	s5 =	sshll.u32 s28, $0x1;
	[dreg:$0x2] =	wrdreg s3  }
0xa9: {  	[dreg:$0x3] =	wrdreg s5  }
0xaa: {  	[dreg:$0x4] =	wrdreg $0xC0  }
0xab: {  	_ =	task [dreg:s7], $0x5FFFF  }
0xac: {  	[dreg:$0x1] =	wrdreg $0xFFFFFFFF  }
0xad: {  	[dreg:$0x0] =	wrdreg $0x60  }
0xae: {  	[dreg:$0x2] =	wrdreg s24  }
0xaf: {  	[dreg:$0x3] =	wrdreg s2  }
0xb0: {  	[dreg:$0x4] =	wrdreg $0x1B5000  }
0xb1: {  	[dreg:$0x5] =	wrdreg $0x1DD000  }
0xb2: {  	[dreg:$0x6] =	wrdreg $0x9  }
0xb3: {  	_ =	task.clear_ibuf [dreg:s7], $0x7FFFF;
	_ =	strace $0x90000046  }
0xb4: {  	s29 =	simm.s32 $0x9;
	_ =	strace $0x80000048  }
0xb5: {  	_ =	swait.ge [sflag:s29], $0x1  }
0xb6: {  	[sflag:s29] =	ssyncadd.s32 $0xFFFFFFFF  }
0xb7: {  	_ =	strace $0x90000048  }
0xb8: {  	_ =	sfence  }
0xb9: {  	s30 =	sld [smem:$0x0];
	_ =	sdelay $0x2  }
0xba: {  	s31 =	sshll.u32 s1, $0xD;
	s1 =	sshrl.u32 s1, $0x2  }
0xbb: {  	s3 =	sand.u32 $0x4000, s31;
	s1 =	sadd.s32 s1, s30  }
0xbc: {  	s0 =	sor.u32 s3, s0;
	s1 =	sshll.u32 s1, $0x11  }
0xbd: {  	s0 =	sor.u32 s1, s0  }
0xbe: {  	s0 =	sadd.s32 $0x8F2B, s0  }
0xbf: {  	[sflag:s0] =	ssyncadd.remote.s32 $0x1  }
0xc0: {  	_ =	sfence.sel $0xFFFF  }
0xc1: {  	[dreg:$0x0] =	wrdreg $0xFFFFFFFF;
	(pc) =	sbr.abs _section_cstart, $3  }
0xc2: {  	[dreg:$0x1] =	wrdreg $0xFFFFFFFF  }
0xc3: {  	_ =	task.clear_ibuf [dreg:s7], $0x2FFFF;
	_ =	strace $0x9FFFFFFF  }
0xc4: {  	(tm) =	ssettm $0x7FFFFFFF  }
0xc5: {  	_ =	shalt  }
tec
execute0_lowered:
.L_overlay_start_1:
0x0: {  	(tag) =	ssettag $0x1  }
0x1: {  	s1 =	rddreg [dreg:$0x0]  }
0x2: {  	s3 =	rddreg [dreg:$0x1]  }
0x3: {  	s0 =	srdreg.scid;
	s4 =	rddreg [dreg:$0x2]  }
0x4: {  	s10 =	stileid.u32;
	s11 =	rddreg [dreg:$0x3]  }
0x5: {  	s7 =	simm.s32 $0x0;
	s0 =	sand.u32 $0x1, s0;
	s22 =	smul.u32 $0x9C4, s10  }
0x6: {  	s6 =	sshll.u32 s10, $0x7;
	[smem:$0x7FF] =	sst s7;
	s26 =	smul.u32 $0xA000, s10  }
0x7: {  	s21 =	sadd.s32 $0x13C00, s1;
	s23 =	sadd.s32 $0x28200, s1;
	s12 =	smul.u32 $0x280, s10  }
0x8: {  	s7 =	simm.s32 $0x100;
	s2 =	sshll.u32 s0, $0x4;
	s6 =	sand.u32 $0x380, s6  }
0x9: {  	_ =	strace $0x80000047;
	[dreg:$0x5] =	wrdreg s21;
	s0 =	ssub.s32 $0x2, s0  }
0xa: {  	[dreg:$0x6] =	wrdreg s23;
	s2 =	sor.u32 s10, s2;
	s24 =	sshrl.u32 s0, $0x1  }
0xb: {  	s25 =	sadd.s32 s1, s22;
	s14 =	sshrl.u32 s26, $0x2;
	s10 =	simm.s32 $0x13E80  }
0xc: {  	s5 =	sshrl.u32 s2, $0x3;
	s9 =	smul.u32 $0x4E2, s2;
	s0 =	ssub.s32 s0, s24  }
0xd: {  	[dreg:$0x7] =	wrdreg s25;
	s15 =	sadd.s32 s14, s4;
	s24 =	sadd.s32 s12, s11  }
0xe: {  	p0 =	sne.s32 s2, $0x0;
	s5 =	smul.u32 $0x13C00, s5;
	[dreg:$0xc] =	wrdreg s15  }
0xf: {  	[dreg:$0x15] =	wrdreg s24;
	s0 =	smax.u32 s0, $0x1;
	s8 =	sadd.s32 s1, s9  }
0x10: {  	[dreg:$0x18] =	wrdreg s0;
	s5 =	sor.u32 s6, s5;
	s6 =	sadd.s32 s3, s22  }
0x11: {  	s11 =	simm.s32 $0x6;
	s13 =	sadd.s32 $0x9E00, s8;
	[dreg:$0x8] =	wrdreg s6  }
0x12: {  	s14 =	simm.s32 $0x5;
	s3 =	sadd.s32 s3, s9;
	[dreg:$0x9] =	wrdreg s13  }
0x13: {  	s15 =	simm.s32 $0x3;
	s5 =	sshrl.u32 s5, $0x3;
	[dreg:$0xa] =	wrdreg s3  }
0x14: {  	s13 =	sadd.s32 s12, s4;
	s5 =	sadd.s32 s5, s1;
	s1 =	sadd.s32 $0x13C10, s1  }
0x15: {  	s9 =	simm.s32 $0x11700;
	s16 =	sadd.s32 $0x2800, s13;
	[dreg:$0xb] =	wrdreg s1  }
0x16: {  	s3 =	simm.s32 $0x1;
	s17 =	sadd.s32 $0x5000, s13;
	[dreg:$0xd] =	wrdreg s16  }
0x17: {  	s4 =	simm.s32 $0x2;
	s18 =	sadd.s32 $0x7800, s13;
	[dreg:$0xe] =	wrdreg s17  }
0x18: {  	s6 =	simm.s32 $0x80;
	s19 =	sadd.s32 $0xA000, s13;
	[dreg:$0xf] =	wrdreg s18  }
0x19: {  	s12 =	simm.s32 $0x4;
	s20 =	sadd.s32 $0xC800, s13;
	[dreg:$0x10] =	wrdreg s19  }
0x1a: {  	s21 =	sadd.s32 $0xF000, s13;
	s22 =	sadd.s32 $0x11800, s13;
	[dreg:$0x11] =	wrdreg s20  }
0x1b: {  	s23 =	sadd.s32 $0x14000, s13;
	s28 =	sadd.s32 $0x19000, s13;
	[dreg:$0x12] =	wrdreg s21  }
0x1c: {  	s29 =	sadd.s32 $0x1B800, s13;
	s30 =	sadd.s32 $0x1E000, s13;
	[dreg:$0x13] =	wrdreg s22  }
0x1d: {  	s31 =	sadd.s32 $0x20800, s13;
	s0 =	sadd.s32 $0x25800, s13;
	[dreg:$0x14] =	wrdreg s23  }
0x1e: {  	s25 =	sadd.s32 $0x14600, s5;
	s26 =	sadd.s32 $0x1E400, s5;
	s1 =	sadd.s32 $0x23000, s13  }
0x1f: {  	s23 =	simm.s32 $0x4E80;
	s5 =	simm.s32 $0xC480;
	s16 =	simm.s32 $0x16600  }
0x20: {  	s17 =	simm.s32 $0x18D80;
	s18 =	simm.s32 $0x400;
	[dreg:$0x16] =	wrdreg s25  }
0x21: {  	v0 =	vimm.f32 $0.0e+00;
	s19 =	simm.s32 $0x0;
	[dreg:$0x17] =	wrdreg s26;
	s26 =	sadd.s32 $0x16800, s13  }
.LBB2_1:
0x22: {  	s2 =	simm.s32 $0x0;
	s20 =	rddreg [dreg:$0x7]  }
0x23: {  	[tilespmem:s2], [sflag:$0x1] =	stream.linear.gather [hbm4b:s20+s2], $0x4E20, $0x38;
	[tilespmem:$0x1DF80] =	vst v63  }
0x24: {  	s25 =	rddreg [dreg:$0x8]  }
0x25: {  	[tilespmem:s23], [sflag:$0x2] =	stream.linear.gather [hbm4b:s25+s2], $0x4E20, $0x38;
	[tilespmem:$0x1DF80] =	vst v63  }
0x26: {  	s2 =	simm.s32 $0xC4A0  }
0x27: {  	[tilespmem:s2+$0xFFFFFFE0] =	vst v0  }
0x28: {  	[tilespmem:s2+$0x10] =	vst v0  }
0x29: {  	s20 =	simm.s32 $0x0;
	[tilespmem:s2+$0x0] =	vst v0  }
.LBB2_2:
0x2a: {  	s20 =	sadd.s32 $0x4, s20  }
0x2b: {  	[tilespmem:s2+$0xFFFFFFF0] =	vst v0;
	s2 =	sadd.s32 $0x40, s2;
	p1 =	slt.u32 s20, $0x27C  }
.Ltmp0:
0x2c: {  	[tilespmem:s2+$0xFFFFFFE0] =	vst v0;
	(pc) =	sbr.rel @p1 .LBB2_2-.Ltmp0, $3  }
0x2d: {  	_ =	sdelay $0x1  }
0x2e: {  	[tilespmem:s2+$0x10] =	vst v0  }
0x2f: {  	[tilespmem:s2+$0x0] =	vst v0  }
0x30: {  	[tilespmem:s2+$0xFFFFFFF0] =	vst v0  }
0x31: {  	_ =	swait.ge [sflag:s3], $0x4E20  }
0x32: {  	[sflag:s3] =	ssyncset.done $0x0  }
0x33: {  	[sflag:s3] =	ssyncadd.s32 $0xFFFFB1E0  }
0x34: {  	_ =	swait.ge [sflag:s4], $0x4E20  }
0x35: {  	[sflag:s4] =	ssyncset.done $0x0  }
0x36: {  	s20 =	simm.s32 $0x20;
	[sflag:s4] =	ssyncadd.s32 $0xFFFFB1E0  }
0x37: {  	v5 =	vld [tilespmem:s20+$0x10]  }
0x38: {  	v6 =	vld [tilespmem:s20+$0xFFFFFFF0]  }
0x39: {  	s2 =	simm.s32 $0x4EA0;
	v1 =	vld [tilespmem:s20+$0x0]  }
0x3a: {  	v7 =	vld [tilespmem:s2+$0x10]  }
0x3b: {  	v8 =	vld [tilespmem:s2+$0xFFFFFFF0]  }
0x3c: {  	v4 =	vld [tilespmem:s2+$0x0]  }
0x3d: {  	v2 =	vld [tilespmem:s20+$0xFFFFFFE0]  }
0x3e: {  	v3 =	vld [tilespmem:s2+$0xFFFFFFE0]  }
0x3f: {  	[tilespmem:v5+s5+$0x0] =	vst.idx.add.f32.msk $0xffff, v7  }
0x40: {  	s21 =	simm.s32 $0x60;
	s20 =	simm.s32 $0x0;
	[tilespmem:v6+s5+$0x0] =	vst.idx.add.f32.msk $0xffff, v8  }
.LBB2_4:
0x41: {  	v5 =	vld [tilespmem:s21+$0x10];
	s20 =	sadd.s32 $0x4, s20;
	v6 =	vmov v4  }
0x42: {  	v7 =	vld [tilespmem:s21+$0xFFFFFFF0];
	p1 =	slt.u32 s20, $0x4DC  }
0x43: {  	s2 =	sadd.s32 $0x40, s2;
	v8 =	vld [tilespmem:s21+$0x0]  }
0x44: {  	v9 =	vld [tilespmem:s2+$0x10]  }
0x45: {  	v10 =	vld [tilespmem:s21+$0xFFFFFFE0]  }
0x46: {  	v11 =	vld [tilespmem:s2+$0xFFFFFFE0]  }
0x47: {  	v12 =	vld [tilespmem:s2+$0xFFFFFFF0]  }
.Ltmp1:
0x48: {  	v4 =	vld [tilespmem:s2+$0x0];
	(pc) =	sbr.rel @p1 .LBB2_4-.Ltmp1, $4  }
0x49: {  	s22 =	simm.s32 $0x0;
	[tilespmem:v5+s5+$0x0] =	vst.idx.add.f32.msk $0xffff, v9  }
0x4a: {  	[tilespmem:v2+s5+$0x0] =	vst.idx.add.f32.msk $0xffff, v3;
	v2 =	vmov v10  }
0x4b: {  	[tilespmem:v1+s5+$0x0] =	vst.idx.add.f32.msk $0xffff, v6;
	v1 =	vmov v8;
	v3 =	vmov v11  }
0x4c: {  	s21 =	sadd.s32 $0x40, s21;
	[tilespmem:v7+s5+$0x0] =	vst.idx.add.f32.msk $0xffff, v12  }
0x4d: {  	_ =	sdelay $0x3  }
0x4e: {  	[tilespmem:v2+s5+$0x0] =	vst.idx.add.f32.msk $0xffff, v3  }
0x4f: {  	[tilespmem:v1+s5+$0x0] =	vst.idx.add.f32.msk $0xffff, v4  }
.LBB2_6:
0x50: {  	s2 =	sshra.s32 s22, $0x2  }
0x51: {  	v1 =	vld [tilespmem:s2+$0x4E00];
	_ =	sdelay $0x2  }
0x52: {  	p1 =	sne.s32 s22, $0x40;
	v2 =	vld [tilespmem:s2+$0x9C80]  }
.Ltmp2:
0x53: {  	_ = 	snop;
	(pc) =	sbr.rel @p1 .LBB2_6-.Ltmp2, $2  }
0x54: {  	_ =	sdelay $0x2  }
0x55: {  	s22 =	sadd.s32 $0x40, s22;
	[tilespmem:v1+s5+$0x0] =	vst.idx.add.f32.msk $0xffff, v2  }
0x56: {  	s2 =	simm.s32 $0x0;
	s20 =	rddreg [dreg:$0x9];
	s21 =	simm.s32 $0x9D00  }
0x57: {  	[tilespmem:s21], [sflag:$0x1] =	stream.linear.gather [hbm4b:s20+s2], $0x2710, $0x38;
	[tilespmem:$0x1DF80] =	vst v63  }
0x58: {  	_ = 	snop  }
0x59: {  	[tilespmem:s2], [sflag:$0x2] =	stream.linear.gather [hbm4b:s8+s2], $0x2710, $0x38;
	[tilespmem:$0x1DF80] =	vst v63  }
0x5a: {  	s22 =	rddreg [dreg:$0xa]  }
0x5b: {  	[tilespmem:s23], [sflag:$0x3] =	stream.linear.gather [hbm4b:s22+s2], $0x2710, $0x38;
	[tilespmem:$0x1DF80] =	vst v63  }
0x5c: {  	s23 =	rddreg [dreg:$0x5]  }
0x5d: {  	[tilespmem:s9], [sflag:$0x4] =	stream.strided.gather [hbm4b:s23+s6], $0x2780, s7, s6, $0x38;
	[tilespmem:$0x1DF80] =	vst v63  }
0x5e: {  	s24 =	rddreg [dreg:$0xb]  }
0x5f: {  	[tilespmem:s10], [sflag:$0x5] =	stream.strided.gather [hbm4b:s24+s6], $0x2780, s7, s6, $0x38;
	[tilespmem:$0x1DF80] =	vst v63  }
0x60: {  	s25 =	rddreg [dreg:$0xc]  }
0x61: {  	[spmem:s25] =	stream.linear.scatter [tilespmem:s5], [sflag:$0x6], $0x2800, $0x38;
	[tilespmem:$0x1DF80] =	vst v63  }
0x62: {  	_ =	swait.ge [sflag:s11], $0x2800  }
0x63: {  	[sflag:s11] =	ssyncset.done $0x0  }
0x64: {  	[sflag:s11] =	ssyncadd.s32 $0xFFFFD800  }
0x65: {  	s21 =	simm.s32 $0xEC80;
	[bflag:$0x0] =	sbarrier.arrive $0xFFFF  }
0x66: {  	[tilespmem:s21], [sflag:$0x6] =	stream.linear.gather [spmem:s13], $0x280, $0x38;
	[tilespmem:$0x1DF80] =	vst v63  }
0x67: {  	_ =	swait.ge [sflag:s11], $0x280  }
0x68: {  	[sflag:s11] =	ssyncset.done $0x0  }
0x69: {  	s23 =	simm.s32 $0xEF00;
	s22 =	rddreg [dreg:$0xd];
	[sflag:s11] =	ssyncadd.s32 $0xFFFFFD80  }
0x6a: {  	[tilespmem:s23], [sflag:$0x6] =	stream.linear.gather [spmem:s22], $0x280, $0x38;
	[tilespmem:$0x1DF80] =	vst v63  }
0x6b: {  	_ =	swait.ge [sflag:s11], $0x280  }
0x6c: {  	[sflag:s11] =	ssyncset.done $0x0  }
0x6d: {  	s25 =	simm.s32 $0xF180;
	s24 =	rddreg [dreg:$0xe];
	[sflag:s11] =	ssyncadd.s32 $0xFFFFFD80  }
0x6e: {  	[tilespmem:s25], [sflag:$0x6] =	stream.linear.gather [spmem:s24], $0x280, $0x38;
	[tilespmem:$0x1DF80] =	vst v63  }
0x6f: {  	_ =	swait.ge [sflag:s11], $0x280  }
0x70: {  	[sflag:s11] =	ssyncset.done $0x0  }
0x71: {  	s23 =	simm.s32 $0xF400;
	s22 =	rddreg [dreg:$0xf];
	[sflag:s11] =	ssyncadd.s32 $0xFFFFFD80  }
0x72: {  	[tilespmem:s23], [sflag:$0x6] =	stream.linear.gather [spmem:s22], $0x280, $0x38;
	[tilespmem:$0x1DF80] =	vst v63  }
0x73: {  	_ =	swait.ge [sflag:s11], $0x280  }
0x74: {  	[sflag:s11] =	ssyncset.done $0x0  }
0x75: {  	s25 =	simm.s32 $0xF680;
	s24 =	rddreg [dreg:$0x10];
	[sflag:s11] =	ssyncadd.s32 $0xFFFFFD80  }
0x76: {  	[tilespmem:s25], [sflag:$0x6] =	stream.linear.gather [spmem:s24], $0x280, $0x38;
	[tilespmem:$0x1DF80] =	vst v63  }
0x77: {  	_ =	swait.ge [sflag:s11], $0x280  }
0x78: {  	[sflag:s11] =	ssyncset.done $0x0  }
0x79: {  	s23 =	simm.s32 $0xF900;
	s22 =	rddreg [dreg:$0x11];
	[sflag:s11] =	ssyncadd.s32 $0xFFFFFD80  }
0x7a: {  	[tilespmem:s23], [sflag:$0x6] =	stream.linear.gather [spmem:s22], $0x280, $0x38;
	[tilespmem:$0x1DF80] =	vst v63  }
0x7b: {  	_ =	swait.ge [sflag:s11], $0x280  }
0x7c: {  	[sflag:s11] =	ssyncset.done $0x0  }
0x7d: {  	s25 =	simm.s32 $0xFB80;
	s24 =	rddreg [dreg:$0x12];
	[sflag:s11] =	ssyncadd.s32 $0xFFFFFD80  }
0x7e: {  	[tilespmem:s25], [sflag:$0x6] =	stream.linear.gather [spmem:s24], $0x280, $0x38;
	[tilespmem:$0x1DF80] =	vst v63  }
0x7f: {  	_ =	swait.ge [sflag:s11], $0x280  }
0x80: {  	[sflag:s11] =	ssyncset.done $0x0  }
0x81: {  	s23 =	simm.s32 $0xFE00;
	s22 =	rddreg [dreg:$0x13];
	[sflag:s11] =	ssyncadd.s32 $0xFFFFFD80  }
0x82: {  	[tilespmem:s23], [sflag:$0x6] =	stream.linear.gather [spmem:s22], $0x280, $0x38;
	[tilespmem:$0x1DF80] =	vst v63  }
0x83: {  	_ =	swait.ge [sflag:s11], $0x280  }
0x84: {  	[sflag:s11] =	ssyncset.done $0x0  }
0x85: {  	s25 =	simm.s32 $0x10080;
	s24 =	rddreg [dreg:$0x14];
	[sflag:s11] =	ssyncadd.s32 $0xFFFFFD80  }
0x86: {  	[tilespmem:s25], [sflag:$0x6] =	stream.linear.gather [spmem:s24], $0x280, $0x38;
	[tilespmem:$0x1DF80] =	vst v63  }
0x87: {  	_ =	swait.ge [sflag:s11], $0x280  }
0x88: {  	[sflag:s11] =	ssyncset.done $0x0  }
0x89: {  	s21 =	simm.s32 $0x10300;
	[sflag:s11] =	ssyncadd.s32 $0xFFFFFD80  }
0x8a: {  	[tilespmem:s21], [sflag:$0x6] =	stream.linear.gather [spmem:s26], $0x280, $0x38;
	[tilespmem:$0x1DF80] =	vst v63  }
0x8b: {  	_ =	swait.ge [sflag:s11], $0x280  }
0x8c: {  	[sflag:s11] =	ssyncset.done $0x0  }
0x8d: {  	s22 =	simm.s32 $0x10580;
	[sflag:s11] =	ssyncadd.s32 $0xFFFFFD80  }
0x8e: {  	[tilespmem:s22], [sflag:$0x6] =	stream.linear.gather [spmem:s28], $0x280, $0x38;
	[tilespmem:$0x1DF80] =	vst v63  }
0x8f: {  	_ =	swait.ge [sflag:s11], $0x280  }
0x90: {  	[sflag:s11] =	ssyncset.done $0x0  }
0x91: {  	s23 =	simm.s32 $0x10800;
	[sflag:s11] =	ssyncadd.s32 $0xFFFFFD80  }
0x92: {  	[tilespmem:s23], [sflag:$0x6] =	stream.linear.gather [spmem:s29], $0x280, $0x38;
	[tilespmem:$0x1DF80] =	vst v63  }
0x93: {  	_ =	swait.ge [sflag:s11], $0x280  }
0x94: {  	[sflag:s11] =	ssyncset.done $0x0  }
0x95: {  	s24 =	simm.s32 $0x10A80;
	[sflag:s11] =	ssyncadd.s32 $0xFFFFFD80  }
0x96: {  	[tilespmem:s24], [sflag:$0x6] =	stream.linear.gather [spmem:s30], $0x280, $0x38;
	[tilespmem:$0x1DF80] =	vst v63  }
0x97: {  	_ =	swait.ge [sflag:s11], $0x280  }
0x98: {  	[sflag:s11] =	ssyncset.done $0x0  }
0x99: {  	s25 =	simm.s32 $0x10D00;
	[sflag:s11] =	ssyncadd.s32 $0xFFFFFD80  }
0x9a: {  	[tilespmem:s25], [sflag:$0x6] =	stream.linear.gather [spmem:s31], $0x280, $0x38;
	[tilespmem:$0x1DF80] =	vst v63  }
0x9b: {  	_ =	swait.ge [sflag:s11], $0x280  }
0x9c: {  	[sflag:s11] =	ssyncset.done $0x0  }
0x9d: {  	s21 =	simm.s32 $0x10F80;
	[sflag:s11] =	ssyncadd.s32 $0xFFFFFD80  }
0x9e: {  	[tilespmem:s21], [sflag:$0x6] =	stream.linear.gather [spmem:s1], $0x280, $0x38;
	[tilespmem:$0x1DF80] =	vst v63  }
0x9f: {  	_ =	swait.ge [sflag:s11], $0x280  }
0xa0: {  	[sflag:s11] =	ssyncset.done $0x0  }
0xa1: {  	s22 =	simm.s32 $0x11200;
	[sflag:s11] =	ssyncadd.s32 $0xFFFFFD80  }
0xa2: {  	[tilespmem:s22], [sflag:$0x6] =	stream.linear.gather [spmem:s0], $0x280, $0x38;
	[tilespmem:$0x1DF80] =	vst v63  }
0xa3: {  	_ =	swait.ge [sflag:s11], $0x280  }
0xa4: {  	[sflag:s11] =	ssyncset.done $0x0  }
0xa5: {  	s23 =	simm.s32 $0x10090;
	[sflag:s11] =	ssyncadd.s32 $0xFFFFFD80  }
0xa6: {  	s2 =	sand.u32 $0x3E0, s2;
	v1 =	vld [tilespmem:s23+$0xFFFFEBF0]  }
0xa7: {  	v2 =	vld [tilespmem:s2+$0xEF00]  }
0xa8: {  	v3 =	vld [tilespmem:s23+$0xFFFFEC00]  }
0xa9: {  	v4 =	vld [tilespmem:s2+$0xF180]  }
0xaa: {  	v5 =	vld [tilespmem:s23+$0xFFFFEE80]  }
0xab: {  	v6 =	vld [tilespmem:s2+$0xF400]  }
0xac: {  	v1 =	vadd.f32 v2, v1;
	v2 =	vld [tilespmem:s23+$0xFFFFF100]  }
0xad: {  	v7 =	vld [tilespmem:s2+$0xF680]  }
0xae: {  	v1 =	vadd.f32 v4, v1;
	v4 =	vld [tilespmem:s23+$0xFFFFF380]  }
0xaf: {  	v8 =	vld [tilespmem:s2+$0xF900];
	v3 =	vadd.f32 v5, v3  }
0xb0: {  	v5 =	vld [tilespmem:s23+$0xFFFFF600];
	v1 =	vadd.f32 v6, v1  }
0xb1: {  	v6 =	vld [tilespmem:s2+$0xFB80];
	v2 =	vadd.f32 v2, v3  }
0xb2: {  	v3 =	vld [tilespmem:s23+$0xFFFFF880];
	v1 =	vadd.f32 v7, v1  }
0xb3: {  	v7 =	vld [tilespmem:s2+$0xFE00];
	v2 =	vadd.f32 v4, v2  }
0xb4: {  	v4 =	vld [tilespmem:s23+$0xFFFFFB00];
	v1 =	vadd.f32 v8, v1  }
0xb5: {  	v8 =	vld [tilespmem:s2+$0x10080];
	v2 =	vadd.f32 v5, v2  }
0xb6: {  	v5 =	vld [tilespmem:s23+$0xFFFFFD80];
	v1 =	vadd.f32 v6, v1  }
0xb7: {  	v6 =	vld [tilespmem:s2+$0x10300];
	v2 =	vadd.f32 v3, v2  }
0xb8: {  	v3 =	vld [tilespmem:s23+$0x0];
	v1 =	vadd.f32 v7, v1  }
0xb9: {  	v7 =	vld [tilespmem:s2+$0x10580];
	v2 =	vadd.f32 v4, v2  }
0xba: {  	v4 =	vld [tilespmem:s23+$0x280];
	v1 =	vadd.f32 v8, v1  }
0xbb: {  	v8 =	vld [tilespmem:s2+$0x10800];
	v2 =	vadd.f32 v5, v2  }
0xbc: {  	v5 =	vld [tilespmem:s23+$0x500];
	v1 =	vadd.f32 v6, v1  }
0xbd: {  	v6 =	vld [tilespmem:s2+$0x10A80];
	v2 =	vadd.f32 v3, v2  }
0xbe: {  	v3 =	vld [tilespmem:s23+$0x780];
	v1 =	vadd.f32 v7, v1  }
0xbf: {  	v7 =	vld [tilespmem:s2+$0x10D00];
	v2 =	vadd.f32 v4, v2  }
0xc0: {  	v4 =	vld [tilespmem:s23+$0xA00];
	v1 =	vadd.f32 v8, v1  }
0xc1: {  	v8 =	vld [tilespmem:s2+$0x10F80];
	v2 =	vadd.f32 v5, v2  }
0xc2: {  	v5 =	vld [tilespmem:s23+$0xC80];
	v1 =	vadd.f32 v6, v1  }
0xc3: {  	v6 =	vld [tilespmem:s2+$0x11200];
	v2 =	vadd.f32 v3, v2  }
0xc4: {  	s24 =	simm.s32 $0x100B0;
	v3 =	vld [tilespmem:s23+$0xF00];
	v1 =	vadd.f32 v7, v1  }
0xc5: {  	s25 =	simm.s32 $0x20;
	v7 =	vld [tilespmem:s24+$0xFFFFEBF0];
	v2 =	vadd.f32 v4, v2  }
0xc6: {  	s2 =	sand.u32 $0x3E0, s25;
	v4 =	vld [tilespmem:s23+$0x1180];
	v1 =	vadd.f32 v8, v1  }
0xc7: {  	v8 =	vld [tilespmem:s2+$0xEF00];
	v2 =	vadd.f32 v5, v2  }
0xc8: {  	v5 =	vld [tilespmem:s24+$0xFFFFEC00];
	v1 =	vadd.f32 v6, v1  }
0xc9: {  	v6 =	vld [tilespmem:s2+$0xF180];
	v2 =	vadd.f32 v3, v2  }
0xca: {  	v3 =	vld [tilespmem:s24+$0xFFFFEE80];
	v1 =	vadd.f32 $1.000000000e+00, v1  }
0xcb: {  	v9 =	vld [tilespmem:s2+$0xF400];
	v2 =	vadd.f32 v4, v2  }
0xcc: {  	v4 =	vadd.f32 v8, v7;
	v7 =	vld [tilespmem:s24+$0xFFFFF100];
	v8 =	vshra.s32 v1, $0x1;
	v1 =	vmul.f32 $5.000000000e-01, v1  }
0xcd: {  	v10 =	vld [tilespmem:s2+$0xF680];
	v8 =	vsub.s32 $0x5F3759DF, v8;
	v2 =	vadd.f32 $1.000000000e+00, v2  }
0xce: {  	v4 =	vadd.f32 v6, v4;
	v6 =	vld [tilespmem:s24+$0xFFFFF380];
	v11 =	vmul.f32 v8, v1  }
0xcf: {  	v12 =	vld [tilespmem:s2+$0xF900];
	v3 =	vadd.f32 v3, v5;
	v5 =	vshra.s32 v2, $0x1;
	v2 =	vmul.f32 $5.000000000e-01, v2  }
0xd0: {  	v4 =	vadd.f32 v9, v4;
	v9 =	vld [tilespmem:s24+$0xFFFFF600];
	v5 =	vsub.s32 $0x5F3759DF, v5;
	v11 =	vmul.f32 v8, v11  }
0xd1: {  	v13 =	vld [tilespmem:s2+$0xFB80];
	v3 =	vadd.f32 v7, v3;
	v7 =	vmul.f32 v5, v2  }
0xd2: {  	v4 =	vadd.f32 v10, v4;
	v10 =	vld [tilespmem:s24+$0xFFFFF880];
	v11 =	vsub.f32 $1.500000000e+00, v11  }
0xd3: {  	v14 =	vld [tilespmem:s2+$0xFE00];
	v3 =	vadd.f32 v6, v3;
	v6 =	vmul.f32 v5, v7  }
0xd4: {  	v4 =	vadd.f32 v12, v4;
	v7 =	vld [tilespmem:s24+$0xFFFFFB00];
	v8 =	vmul.f32 v8, v11  }
0xd5: {  	v11 =	vld [tilespmem:s2+$0x10080];
	v3 =	vadd.f32 v9, v3;
	v6 =	vsub.f32 $1.500000000e+00, v6  }
0xd6: {  	v9 =	vld [tilespmem:s24+$0xFFFFFD80];
	v4 =	vadd.f32 v13, v4;
	v57 =	vmul.f32 v8, v1  }
0xd7: {  	v58 =	vld [tilespmem:s2+$0x10300];
	v3 =	vadd.f32 v10, v3;
	v5 =	vmul.f32 v5, v6  }
0xd8: {  	v4 =	vadd.f32 v14, v4;
	v6 =	vld [tilespmem:s24+$0x0];
	v10 =	vmul.f32 v57, v8  }
0xd9: {  	v59 =	vld [tilespmem:s2+$0x10580];
	v3 =	vadd.f32 v7, v3;
	v7 =	vmul.f32 v5, v2  }
0xda: {  	v4 =	vadd.f32 v11, v4;
	v11 =	vld [tilespmem:s24+$0x280];
	v10 =	vsub.f32 $1.500000000e+00, v10  }
0xdb: {  	v60 =	vld [tilespmem:s2+$0x10800];
	v3 =	vadd.f32 v9, v3;
	v7 =	vmul.f32 v7, v5  }
0xdc: {  	v9 =	vld [tilespmem:s24+$0x500];
	v4 =	vadd.f32 v58, v4;
	v10 =	vmul.f32 v10, v8  }
0xdd: {  	v8 =	vld [tilespmem:s2+$0x10A80];
	v3 =	vadd.f32 v6, v3;
	v6 =	vsub.f32 $1.500000000e+00, v7  }
0xde: {  	v4 =	vadd.f32 v59, v4;
	v7 =	vld [tilespmem:s24+$0x780];
	v61 =	vmul.f32 v10, v1  }
0xdf: {  	v62 =	vld [tilespmem:s2+$0x10D00];
	v3 =	vadd.f32 v11, v3;
	v1 =	vmul.f32 v6, v5  }
0xe0: {  	v11 =	vld [tilespmem:s24+$0xA00];
	v5 =	vadd.f32 v60, v4;
	v12 =	vmul.f32 v61, v10  }
0xe1: {  	v4 =	vld [tilespmem:s2+$0x10F80];
	v3 =	vadd.f32 v9, v3;
	v2 =	vmul.f32 v1, v2  }
0xe2: {  	v6 =	vld [tilespmem:s24+$0xC80];
	v8 =	vadd.f32 v8, v5;
	v12 =	vsub.f32 $1.500000000e+00, v12  }
0xe3: {  	v5 =	vld [tilespmem:s2+$0x11200];
	v3 =	vadd.f32 v7, v3;
	v63 =	vmul.f32 v2, v1  }
0xe4: {  	s20 =	simm.s32 $0x11490;
	v9 =	vadd.f32 v62, v8;
	v8 =	vld [tilespmem:s24+$0xF00];
	v2 =	vmul.f32 v12, v10  }
0xe5: {  	s21 =	simm.s32 $0x100D0;
	s22 =	simm.s32 $0x40;
	s2 =	simm.s32 $0x2;
	v7 =	vld [tilespmem:s24+$0x1180];
	v10 =	vadd.f32 v11, v3;
	v3 =	vsub.f32 $1.500000000e+00, v63  }
.LBB2_8:
0xe6: {  	v11 =	vld [tilespmem:s21+$0xFFFFEBF0];
	s23 =	sand.u32 $0x3E0, s22;
	s2 =	sadd.s32 $0x2, s2;
	v4 =	vadd.f32 v4, v9;
	[tilespmem:s20+$0xFFFFFFF0] =	vst v2  }
0xe7: {  	v2 =	vld [tilespmem:s23+$0xEF00];
	p1 =	slt.u32 s2, $0x26;
	v6 =	vadd.f32 v6, v10;
	v1 =	vmul.f32 v3, v1  }
0xe8: {  	v3 =	vld [tilespmem:s21+$0xFFFFEC00];
	v4 =	vadd.f32 v5, v4  }
0xe9: {  	v5 =	vld [tilespmem:s23+$0xF180];
	v6 =	vadd.f32 v8, v6;
	[tilespmem:s20+$0x0] =	vst v1  }
0xea: {  	v1 =	vld [tilespmem:s21+$0xFFFFEE80];
	v4 =	vadd.f32 $1.000000000e+00, v4  }
0xeb: {  	v8 =	vld [tilespmem:s23+$0xF400];
	v6 =	vadd.f32 v7, v6  }
0xec: {  	v2 =	vadd.f32 v2, v11;
	v7 =	vld [tilespmem:s21+$0xFFFFF100];
	v9 =	vshra.s32 v4, $0x1;
	v4 =	vmul.f32 $5.000000000e-01, v4  }
0xed: {  	v10 =	vld [tilespmem:s23+$0xF680];
	v9 =	vsub.s32 $0x5F3759DF, v9;
	v6 =	vadd.f32 $1.000000000e+00, v6  }
0xee: {  	v2 =	vadd.f32 v5, v2;
	v5 =	vld [tilespmem:s21+$0xFFFFF380];
	v11 =	vmul.f32 v9, v4  }
0xef: {  	v12 =	vld [tilespmem:s23+$0xF900];
	v1 =	vadd.f32 v1, v3;
	v3 =	vshra.s32 v6, $0x1;
	v6 =	vmul.f32 $5.000000000e-01, v6  }
0xf0: {  	v2 =	vadd.f32 v8, v2;
	v8 =	vld [tilespmem:s21+$0xFFFFF600];
	v11 =	vmul.f32 v9, v11;
	v3 =	vsub.s32 $0x5F3759DF, v3  }
0xf1: {  	v13 =	vld [tilespmem:s23+$0xFB80];
	v1 =	vadd.f32 v7, v1;
	v7 =	vmul.f32 v3, v6  }
0xf2: {  	v2 =	vadd.f32 v10, v2;
	v10 =	vld [tilespmem:s21+$0xFFFFF880];
	v11 =	vsub.f32 $1.500000000e+00, v11  }
0xf3: {  	v14 =	vld [tilespmem:s23+$0xFE00];
	v1 =	vadd.f32 v5, v1;
	v5 =	vmul.f32 v3, v7  }
0xf4: {  	v2 =	vadd.f32 v12, v2;
	v7 =	vld [tilespmem:s21+$0xFFFFFB00];
	v9 =	vmul.f32 v9, v11  }
0xf5: {  	v11 =	vld [tilespmem:s23+$0x10080];
	v1 =	vadd.f32 v8, v1;
	v5 =	vsub.f32 $1.500000000e+00, v5  }
0xf6: {  	v2 =	vadd.f32 v13, v2;
	v8 =	vld [tilespmem:s21+$0xFFFFFD80];
	v12 =	vmul.f32 v9, v4  }
0xf7: {  	v13 =	vld [tilespmem:s23+$0x10300];
	v1 =	vadd.f32 v10, v1;
	v3 =	vmul.f32 v3, v5  }
0xf8: {  	v2 =	vadd.f32 v14, v2;
	v5 =	vld [tilespmem:s21+$0x0];
	v10 =	vmul.f32 v12, v9  }
0xf9: {  	v12 =	vld [tilespmem:s23+$0x10580];
	v1 =	vadd.f32 v7, v1;
	v7 =	vmul.f32 v3, v6  }
0xfa: {  	v2 =	vadd.f32 v11, v2;
	v11 =	vld [tilespmem:s21+$0x280];
	v10 =	vsub.f32 $1.500000000e+00, v10  }
0xfb: {  	v14 =	vld [tilespmem:s23+$0x10800];
	v1 =	vadd.f32 v8, v1;
	v7 =	vmul.f32 v7, v3  }
0xfc: {  	v2 =	vadd.f32 v13, v2;
	v8 =	vld [tilespmem:s21+$0x500];
	v10 =	vmul.f32 v10, v9  }
0xfd: {  	v9 =	vld [tilespmem:s23+$0x10A80];
	v1 =	vadd.f32 v5, v1;
	v5 =	vsub.f32 $1.500000000e+00, v7  }
0xfe: {  	v2 =	vadd.f32 v12, v2;
	v7 =	vld [tilespmem:s21+$0x780];
	v4 =	vmul.f32 v10, v4  }
0xff: {  	v12 =	vld [tilespmem:s23+$0x10D00];
	v11 =	vadd.f32 v11, v1;
	v1 =	vmul.f32 v5, v3  }
0x100: {  	v2 =	vadd.f32 v14, v2;
	v3 =	vld [tilespmem:s21+$0xA00];
	v5 =	vmul.f32 v4, v10  }
.Ltmp3:
0x101: {  	v4 =	vld [tilespmem:s23+$0x10F80];
	v8 =	vadd.f32 v8, v11;
	v11 =	vmul.f32 v1, v6;
	(pc) =	sbr.rel @p1 .LBB2_8-.Ltmp3, $4  }
0x102: {  	v2 =	vadd.f32 v9, v2;
	v6 =	vld [tilespmem:s21+$0xC80];
	v13 =	vsub.f32 $1.500000000e+00, v5  }
0x103: {  	v5 =	vld [tilespmem:s23+$0x11200];
	v7 =	vadd.f32 v7, v8;
	v11 =	vmul.f32 v11, v1  }
0x104: {  	v9 =	vadd.f32 v12, v2;
	v8 =	vld [tilespmem:s21+$0xF00];
	v2 =	vmul.f32 v13, v10  }
0x105: {  	s22 =	sadd.s32 $0x20, s22;
	s20 =	sadd.s32 $0x20, s20;
	v10 =	vadd.f32 v3, v7;
	v7 =	vld [tilespmem:s21+$0x1180];
	s21 =	sadd.s32 $0x20, s21;
	v3 =	vsub.f32 $1.500000000e+00, v11  }
0x106: {  	_ = 	snop  }
0x107: {  	v6 =	vadd.f32 v6, v10  }
0x108: {  	v4 =	vadd.f32 v4, v9  }
0x109: {  	v6 =	vadd.f32 v8, v6  }
0x10a: {  	v4 =	vadd.f32 v5, v4  }
0x10b: {  	v5 =	vadd.f32 v7, v6  }
0x10c: {  	v4 =	vadd.f32 $1.000000000e+00, v4  }
0x10d: {  	v5 =	vadd.f32 $1.000000000e+00, v5  }
0x10e: {  	v6 =	vshra.s32 v4, $0x1;
	v4 =	vmul.f32 $5.000000000e-01, v4  }
0x10f: {  	v6 =	vsub.s32 $0x5F3759DF, v6;
	v7 =	vshra.s32 v5, $0x1;
	v5 =	vmul.f32 $5.000000000e-01, v5  }
0x110: {  	v8 =	vmul.f32 v6, v4;
	v7 =	vsub.s32 $0x5F3759DF, v7  }
0x111: {  	v60 =	vmul.f32 v7, v5  }
0x112: {  	v8 =	vmul.f32 v6, v8  }
0x113: {  	v9 =	vmul.f32 v7, v60  }
0x114: {  	v8 =	vsub.f32 $1.500000000e+00, v8  }
0x115: {  	v9 =	vsub.f32 $1.500000000e+00, v9  }
0x116: {  	v6 =	vmul.f32 v6, v8  }
0x117: {  	v7 =	vmul.f32 v7, v9  }
0x118: {  	v8 =	vmul.f32 v6, v4  }
0x119: {  	v9 =	vmul.f32 v7, v5  }
0x11a: {  	v8 =	vmul.f32 v8, v6  }
0x11b: {  	v9 =	vmul.f32 v9, v7  }
0x11c: {  	v8 =	vsub.f32 $1.500000000e+00, v8  }
0x11d: {  	v9 =	vsub.f32 $1.500000000e+00, v9  }
0x11e: {  	v6 =	vmul.f32 v8, v6  }
0x11f: {  	v7 =	vmul.f32 v9, v7  }
0x120: {  	v4 =	vmul.f32 v6, v4  }
0x121: {  	v5 =	vmul.f32 v7, v5  }
0x122: {  	v4 =	vmul.f32 v4, v6  }
0x123: {  	v5 =	vmul.f32 v5, v7  }
0x124: {  	v4 =	vsub.f32 $1.500000000e+00, v4  }
0x125: {  	v1 =	vmul.f32 v3, v1;
	v3 =	vsub.f32 $1.500000000e+00, v5  }
0x126: {  	[tilespmem:s20+$0xFFFFFFF0] =	vst v2;
	v2 =	vmul.f32 v4, v6  }
0x127: {  	s2 =	sadd.s32 $0x20, s20;
	[tilespmem:s20+$0x0] =	vst v1;
	v1 =	vmul.f32 v3, v7  }
0x128: {  	[tilespmem:s2+$0xFFFFFFF0] =	vst v2  }
0x129: {  	[tilespmem:s2+$0x0] =	vst v1  }
0x12a: {  	s22 =	simm.s32 $0x11480;
	s2 =	rddreg [dreg:$0x15]  }
0x12b: {  	[spmem:s2] =	stream.linear.scatter [tilespmem:s22], [sflag:$0x6], $0x280, $0x38;
	[tilespmem:$0x1DF80] =	vst v63  }
0x12c: {  	_ =	swait.ge [sflag:s11], $0x280  }
0x12d: {  	[sflag:s11] =	ssyncset.done $0x0  }
0x12e: {  	[sflag:s11] =	ssyncadd.s32 $0xFFFFFD80  }
0x12f: {  	[bflag:$0x0] =	sbarrier.arrive $0xFFFF  }
0x130: {  	s23 =	rddreg [dreg:$0x3]  }
0x131: {  	[tilespmem:s5], [sflag:$0x6] =	stream.linear.gather [spmem:s23], $0x2800, $0x38;
	[tilespmem:$0x1DF80] =	vst v63  }
0x132: {  	_ =	swait.ge [sflag:s11], $0x2800  }
0x133: {  	[sflag:s11] =	ssyncset.done $0x0  }
0x134: {  	[sflag:s11] =	ssyncadd.s32 $0xFFFFD800  }
0x135: {  	_ =	swait.ge [sflag:s12], $0x2780  }
0x136: {  	[sflag:s12] =	ssyncset.done $0x0  }
0x137: {  	[sflag:s12] =	ssyncadd.s32 $0xFFFFD880  }
0x138: {  	_ =	swait.ge [sflag:s14], $0x2780  }
0x139: {  	[sflag:s14] =	ssyncset.done $0x0  }
0x13a: {  	s24 =	simm.s32 $0xC4A0;
	[sflag:s14] =	ssyncadd.s32 $0xFFFFD880  }
0x13b: {  	s25 =	simm.s32 $0x11720;
	v1 =	vld [tilespmem:s24+$0x10]  }
0x13c: {  	v2 =	vld [tilespmem:s25+$0x10]  }
0x13d: {  	v3 =	vld [tilespmem:s25+$0xFFFFFFE0]  }
0x13e: {  	v8 =	vld [tilespmem:s24+$0xFFFFFFE0]  }
0x13f: {  	v4 =	vld [tilespmem:s24+$0xFFFFFFF0]  }
0x140: {  	v5 =	vld [tilespmem:s25+$0xFFFFFFF0];
	_ =	sdelay $0x1  }
0x141: {  	v2 =	vmul.f32 v2, v1  }
0x142: {  	v6 =	vld [tilespmem:s24+$0x0];
	v3 =	vmul.f32 v3, v8  }
0x143: {  	s23 =	simm.s32 $0x13EA0;
	v7 =	vld [tilespmem:s25+$0x0];
	[tilespmem:s25+$0x10] =	vst v2  }
0x144: {  	v2 =	vmul.f32 v5, v4;
	[tilespmem:s25+$0xFFFFFFE0] =	vst v3;
	v5 =	vld [tilespmem:s23+$0x10]  }
0x145: {  	v3 =	vld [tilespmem:s23+$0xFFFFFFE0];
	_ =	sdelay $0x2  }
0x146: {  	[tilespmem:s25+$0xFFFFFFF0] =	vst v2;
	v2 =	vmul.f32 v7, v6  }
0x147: {  	s21 =	simm.s32 $0x11760;
	v7 =	vld [tilespmem:s23+$0xFFFFFFF0];
	v1 =	vmul.f32 v5, v1  }
0x148: {  	s22 =	simm.s32 $0xC4E0;
	v62 =	vld [tilespmem:s21+$0x10];
	[tilespmem:s25+$0x0] =	vst v2;
	v3 =	vmul.f32 v3, v8  }
0x149: {  	v2 =	vld [tilespmem:s22+$0xFFFFFFF0];
	[tilespmem:s23+$0x10] =	vst v1  }
0x14a: {  	s2 =	simm.s32 $0x16620;
	v5 =	vld [tilespmem:s22+$0x10];
	[tilespmem:s23+$0xFFFFFFE0] =	vst v3  }
0x14b: {  	v61 =	vld [tilespmem:s23+$0x0];
	[tilespmem:s2+$0x10] =	vst v0  }
0x14c: {  	s20 =	simm.s32 $0x18DA0;
	v8 =	vld [tilespmem:s21+$0x0];
	v1 =	vmul.f32 v7, v4;
	[tilespmem:s2+$0xFFFFFFE0] =	vst v0  }
0x14d: {  	v7 =	vld [tilespmem:s21+$0xFFFFFFF0];
	[tilespmem:s20+$0x10] =	vst v0  }
0x14e: {  	v4 =	vld [tilespmem:s21+$0xFFFFFFE0];
	[tilespmem:s23+$0xFFFFFFF0] =	vst v1  }
0x14f: {  	v1 =	vld [tilespmem:s22+$0x0];
	[tilespmem:s20+$0xFFFFFFE0] =	vst v0;
	v10 =	vmul.f32 v62, v5  }
0x150: {  	v3 =	vld [tilespmem:s22+$0xFFFFFFE0];
	[tilespmem:s2+$0xFFFFFFF0] =	vst v0  }
0x151: {  	v6 =	vmul.f32 v61, v6;
	s22 =	simm.s32 $0x13EE0;
	[tilespmem:s21+$0x10] =	vst v10  }
0x152: {  	[tilespmem:s20+$0xFFFFFFF0] =	vst v0;
	v7 =	vmul.f32 v7, v2;
	v63 =	vld [tilespmem:s22+$0x10]  }
0x153: {  	[tilespmem:s23+$0x0] =	vst v6  }
0x154: {  	[tilespmem:s21+$0xFFFFFFF0] =	vst v7;
	v7 =	vmul.f32 v8, v1  }
0x155: {  	v4 =	vmul.f32 v4, v3;
	[tilespmem:s2+$0x0] =	vst v0;
	v6 =	vld [tilespmem:s22+$0xFFFFFFF0]  }
0x156: {  	[tilespmem:s21+$0x0] =	vst v7  }
0x157: {  	[tilespmem:s21+$0xFFFFFFE0] =	vst v4;
	v4 =	vld [tilespmem:s22+$0x0];
	v7 =	vmul.f32 v63, v5  }
0x158: {  	s24 =	simm.s32 $0x4;
	s25 =	simm.s32 $0xC520;
	s23 =	simm.s32 $0x13EE0;
	[tilespmem:s20+$0x0] =	vst v0;
	v5 =	vld [tilespmem:s22+$0xFFFFFFE0]  }
.LBB2_10:
0x159: {  	v8 =	vld [tilespmem:s25+$0x10];
	[tilespmem:s22+$0x10] =	vst v7;
	s21 =	sadd.s32 $0x40, s21;
	s2 =	sadd.s32 $0x40, s2  }
0x15a: {  	s20 =	sadd.s32 $0x40, s20;
	v7 =	vld [tilespmem:s21+$0x10];
	v6 =	vmul.f32 v6, v2;
	[tilespmem:s2+$0x10] =	vst v0  }
0x15b: {  	v9 =	vld [tilespmem:s21+$0xFFFFFFE0];
	[tilespmem:s20+$0x10] =	vst v0  }
0x15c: {  	s24 =	sadd.s32 $0x4, s24;
	v2 =	vld [tilespmem:s25+$0xFFFFFFF0];
	[tilespmem:s22+$0xFFFFFFF0] =	vst v6;
	v4 =	vmul.f32 v4, v1  }
0x15d: {  	p1 =	slt.u32 s24, $0x26C;
	v6 =	vld [tilespmem:s21+$0xFFFFFFF0];
	v3 =	vmul.f32 v5, v3;
	[tilespmem:s2+$0xFFFFFFF0] =	vst v0  }
0x15e: {  	v1 =	vld [tilespmem:s25+$0x0];
	[tilespmem:s20+$0xFFFFFFF0] =	vst v0  }
0x15f: {  	v5 =	vld [tilespmem:s21+$0x0];
	v7 =	vmul.f32 v7, v8;
	[tilespmem:s22+$0xFFFFFFE0] =	vst v3  }
0x160: {  	v3 =	vld [tilespmem:s25+$0xFFFFFFE0];
	[tilespmem:s2+$0xFFFFFFE0] =	vst v0  }
0x161: {  	s22 =	sadd.s32 $0x40, s22;
	[tilespmem:s21+$0x10] =	vst v7  }
0x162: {  	v6 =	vmul.f32 v6, v2;
	v7 =	vld [tilespmem:s22+$0x10];
	[tilespmem:s20+$0xFFFFFFE0] =	vst v0  }
0x163: {  	[tilespmem:s23+$0x0] =	vst v4;
	s23 =	smov.u32 s22  }
.Ltmp4:
0x164: {  	[tilespmem:s21+$0xFFFFFFF0] =	vst v6;
	v4 =	vmul.f32 v5, v1;
	(pc) =	sbr.rel @p1 .LBB2_10-.Ltmp4, $4  }
0x165: {  	v5 =	vmul.f32 v9, v3;
	v6 =	vld [tilespmem:s22+$0xFFFFFFF0];
	[tilespmem:s2+$0x0] =	vst v0  }
0x166: {  	[tilespmem:s21+$0x0] =	vst v4  }
0x167: {  	[tilespmem:s21+$0xFFFFFFE0] =	vst v5;
	v4 =	vld [tilespmem:s22+$0x0];
	v7 =	vmul.f32 v7, v8  }
0x168: {  	s25 =	sadd.s32 $0x40, s25;
	v5 =	vld [tilespmem:s22+$0xFFFFFFE0];
	[tilespmem:s20+$0x0] =	vst v0  }
0x169: {  	[tilespmem:s22+$0x10] =	vst v7;
	s2 =	sadd.s32 $0x40, s2  }
0x16a: {  	s20 =	sadd.s32 $0x40, s20;
	v2 =	vmul.f32 v6, v2;
	[tilespmem:s2+$0x10] =	vst v0  }
0x16b: {  	[tilespmem:s20+$0x10] =	vst v0  }
0x16c: {  	[tilespmem:s22+$0xFFFFFFF0] =	vst v2  }
0x16d: {  	v1 =	vmul.f32 v4, v1;
	[tilespmem:s2+$0xFFFFFFF0] =	vst v0  }
0x16e: {  	v2 =	vmul.f32 v5, v3;
	[tilespmem:s20+$0xFFFFFFF0] =	vst v0  }
0x16f: {  	[tilespmem:s23+$0x0] =	vst v1  }
0x170: {  	[tilespmem:s22+$0xFFFFFFE0] =	vst v2  }
0x171: {  	[tilespmem:s2+$0x0] =	vst v0  }
0x172: {  	[tilespmem:s2+$0xFFFFFFE0] =	vst v0  }
0x173: {  	[tilespmem:s20+$0x0] =	vst v0  }
0x174: {  	[tilespmem:s20+$0xFFFFFFE0] =	vst v0  }
0x175: {  	v1 =	vld [tilespmem:$0xEB80]  }
0x176: {  	v2 =	vld [tilespmem:$0x13E00]  }
0x177: {  	v3 =	vld [tilespmem:$0x16580];
	_ =	sdelay $0x3  }
0x178: {  	[tilespmem:$0x18D00] =	vst v0;
	v2 =	vmul.f32 v2, v1  }
0x179: {  	[tilespmem:$0x1B480] =	vst v0;
	v1 =	vmul.f32 v3, v1  }
0x17a: {  	[tilespmem:$0x13E00] =	vst v2  }
0x17b: {  	[tilespmem:$0x16580] =	vst v1  }
0x17c: {  	_ =	swait.ge [sflag:s3], $0x2710  }
0x17d: {  	[sflag:s3] =	ssyncset.done $0x0  }
0x17e: {  	[sflag:s3] =	ssyncadd.s32 $0xFFFFD8F0  }
0x17f: {  	_ =	swait.ge [sflag:s4], $0x2710  }
0x180: {  	[sflag:s4] =	ssyncset.done $0x0  }
0x181: {  	[sflag:s4] =	ssyncadd.s32 $0xFFFFD8F0  }
0x182: {  	_ =	swait.ge [sflag:s15], $0x2710  }
0x183: {  	[sflag:s15] =	ssyncset.done $0x0  }
0x184: {  	s25 =	simm.s32 $0x9D20;
	[sflag:s15] =	ssyncadd.s32 $0xFFFFD8F0  }
0x185: {  	v1 =	vld [tilespmem:s25+$0x10]  }
0x186: {  	v2 =	vld [tilespmem:s25+$0xFFFFFFF0]  }
0x187: {  	v3 =	vld [tilespmem:s25+$0xFFFFFFE0]  }
0x188: {  	s2 =	simm.s32 $0x4EA0;
	v4 =	vld [tilespmem:s25+$0x0]  }
0x189: {  	s20 =	simm.s32 $0x20;
	v5 =	vld [tilespmem:s2+$0x10]  }
0x18a: {  	v6 =	vld [tilespmem:s20+$0x10]  }
0x18b: {  	v11 =	vld [tilespmem:s2+$0xFFFFFFE0]  }
0x18c: {  	v12 =	vld [tilespmem:s2+$0xFFFFFFF0]  }
0x18d: {  	v13 =	vld [tilespmem:s2+$0x0]  }
0x18e: {  	v7 =	vld.idx.msk [tilespmem:v1+s9+$0x0], $0xffff  }
0x18f: {  	v1 =	vld.idx.msk [tilespmem:v1+s10+$0x0], $0xffff  }
0x190: {  	v9 =	vld.idx.msk [tilespmem:v2+s9+$0x0], $0xffff  }
0x191: {  	v8 =	vld.idx.msk [tilespmem:v3+s9+$0x0], $0xffff  }
0x192: {  	v3 =	vld.idx.msk [tilespmem:v3+s10+$0x0], $0xffff  }
0x193: {  	v2 =	vld.idx.msk [tilespmem:v2+s10+$0x0], $0xffff  }
0x194: {  	v10 =	vld.idx.msk [tilespmem:v4+s9+$0x0], $0xffff;
	v7 =	vmul.f32 v7, v5  }
0x195: {  	v4 =	vld.idx.msk [tilespmem:v4+s10+$0x0], $0xffff;
	v1 =	vmul.f32 v1, v5  }
0x196: {  	[tilespmem:v6+s16+$0x0] =	vst.idx.add.f32.msk $0xffff, v7  }
0x197: {  	[tilespmem:v6+s17+$0x0] =	vst.idx.add.f32.msk $0xffff, v1  }
0x198: {  	v1 =	vmul.f32 v9, v12;
	v9 =	vld [tilespmem:s20+$0x0]  }
0x199: {  	v6 =	vld [tilespmem:s20+$0xFFFFFFE0]  }
0x19a: {  	v8 =	vmul.f32 v8, v11  }
0x19b: {  	v2 =	vmul.f32 v2, v12;
	v5 =	vmul.f32 v10, v13  }
0x19c: {  	s21 =	simm.s32 $0x0;
	s22 =	simm.s32 $0x9D60;
	v4 =	vmul.f32 v4, v13;
	v7 =	vmul.f32 v3, v11;
	v3 =	vld [tilespmem:s20+$0xFFFFFFF0]  }
.LBB2_12:
0x19d: {  	v10 =	vld [tilespmem:s22+$0x10];
	v11 =	vmov v9  }
0x19e: {  	s21 =	sadd.s32 $0x4, s21;
	v9 =	vld [tilespmem:s22+$0xFFFFFFF0]  }
0x19f: {  	p1 =	slt.u32 s21, $0x26C;
	v12 =	vld [tilespmem:s22+$0x0]  }
0x1a0: {  	v13 =	vld [tilespmem:s22+$0xFFFFFFE0]  }
0x1a1: {  	[tilespmem:v6+s16+$0x0] =	vst.idx.add.f32.msk $0xffff, v8  }
0x1a2: {  	s2 =	sadd.s32 $0x40, s2;
	[tilespmem:v6+s17+$0x0] =	vst.idx.add.f32.msk $0xffff, v7  }
0x1a3: {  	s20 =	sadd.s32 $0x40, s20;
	v6 =	vld [tilespmem:s2+$0x10]  }
0x1a4: {  	v7 =	vld [tilespmem:s20+$0x10]  }
0x1a5: {  	v8 =	vld.idx.msk [tilespmem:v10+s9+$0x0], $0xffff  }
0x1a6: {  	v10 =	vld.idx.msk [tilespmem:v10+s10+$0x0], $0xffff  }
0x1a7: {  	v14 =	vld.idx.msk [tilespmem:v9+s9+$0x0], $0xffff  }
0x1a8: {  	v15 =	vld.idx.msk [tilespmem:v13+s9+$0x0], $0xffff  }
0x1a9: {  	v13 =	vld.idx.msk [tilespmem:v13+s10+$0x0], $0xffff  }
0x1aa: {  	v16 =	vld.idx.msk [tilespmem:v9+s10+$0x0], $0xffff  }
0x1ab: {  	v8 =	vmul.f32 v8, v6;
	v17 =	vld.idx.msk [tilespmem:v12+s9+$0x0], $0xffff  }
0x1ac: {  	v6 =	vmul.f32 v10, v6;
	v12 =	vld.idx.msk [tilespmem:v12+s10+$0x0], $0xffff  }
0x1ad: {  	[tilespmem:v7+s16+$0x0] =	vst.idx.add.f32.msk $0xffff, v8  }
0x1ae: {  	[tilespmem:v7+s17+$0x0] =	vst.idx.add.f32.msk $0xffff, v6  }
0x1af: {  	v7 =	vld [tilespmem:s2+$0xFFFFFFE0]  }
0x1b0: {  	v10 =	vld [tilespmem:s2+$0xFFFFFFF0]  }
0x1b1: {  	v18 =	vld [tilespmem:s2+$0x0]  }
0x1b2: {  	v6 =	vld [tilespmem:s20+$0xFFFFFFE0]  }
0x1b3: {  	v19 =	vld [tilespmem:s20+$0xFFFFFFF0]  }
.Ltmp5:
0x1b4: {  	v8 =	vmul.f32 v15, v7;
	v7 =	vmul.f32 v13, v7;
	v9 =	vld [tilespmem:s20+$0x0];
	(pc) =	sbr.rel @p1 .LBB2_12-.Ltmp5, $4  }
0x1b5: {  	v13 =	vmul.f32 v16, v10;
	[tilespmem:v3+s16+$0x0] =	vst.idx.add.f32.msk $0xffff, v1;
	v1 =	vmul.f32 v14, v10  }
0x1b6: {  	v10 =	vmul.f32 v17, v18;
	v12 =	vmul.f32 v12, v18;
	[tilespmem:v3+s17+$0x0] =	vst.idx.add.f32.msk $0xffff, v2  }
0x1b7: {  	[tilespmem:v11+s16+$0x0] =	vst.idx.add.f32.msk $0xffff, v5;
	v2 =	vmov v13  }
0x1b8: {  	s22 =	sadd.s32 $0x40, s22;
	[tilespmem:v11+s17+$0x0] =	vst.idx.add.f32.msk $0xffff, v4;
	v3 =	vmov v19;
	v5 =	vmov v10;
	v4 =	vmov v12  }
0x1b9: {  	_ =	sdelay $0x3  }
0x1ba: {  	[tilespmem:v6+s16+$0x0] =	vst.idx.add.f32.msk $0xffff, v8  }
0x1bb: {  	[tilespmem:v3+s16+$0x0] =	vst.idx.add.f32.msk $0xffff, v1  }
0x1bc: {  	[tilespmem:v9+s16+$0x0] =	vst.idx.add.f32.msk $0xffff, v5  }
0x1bd: {  	[tilespmem:v6+s17+$0x0] =	vst.idx.add.f32.msk $0xffff, v7  }
0x1be: {  	[tilespmem:v3+s17+$0x0] =	vst.idx.add.f32.msk $0xffff, v2  }
0x1bf: {  	[tilespmem:v9+s17+$0x0] =	vst.idx.add.f32.msk $0xffff, v4  }
0x1c0: {  	v1 =	vld [tilespmem:$0xC400];
	_ =	sdelay $0x5  }
0x1c1: {  	v2 =	vld [tilespmem:$0x2700]  }
0x1c2: {  	v3 =	vld [tilespmem:$0x7580]  }
0x1c3: {  	v4 =	vld.idx.msk [tilespmem:v1+s9+$0x0], $0xffff  }
0x1c4: {  	v1 =	vld.idx.msk [tilespmem:v1+s10+$0x0], $0xffff;
	_ =	sdelay $0x3  }
0x1c5: {  	v4 =	vmul.f32 v4, v3  }
0x1c6: {  	v1 =	vmul.f32 v1, v3  }
0x1c7: {  	[tilespmem:v2+s16+$0x0] =	vst.idx.add.f32.msk $0xffff, v4  }
0x1c8: {  	s2 =	rddreg [dreg:$0x16];
	[tilespmem:v2+s17+$0x0] =	vst.idx.add.f32.msk $0xffff, v1  }
0x1c9: {  	[hbm4b:s2+s6] =	stream.strided.scatter [tilespmem:s16], [sflag:$0x6], $0x2780, s18, s6, $0x38;
	[tilespmem:$0x1DF80] =	vst v63  }
0x1ca: {  	_ =	swait.ge [sflag:s11], $0x2780  }
0x1cb: {  	[sflag:s11] =	ssyncset.done $0x0  }
0x1cc: {  	s24 =	rddreg [dreg:$0x17];
	[sflag:s11] =	ssyncadd.s32 $0xFFFFD880  }
0x1cd: {  	[hbm4b:s24+s6] =	stream.strided.scatter [tilespmem:s17], [sflag:$0x6], $0x2780, s18, s6, $0x38;
	[tilespmem:$0x1DF80] =	vst v63  }
0x1ce: {  	_ =	swait.ge [sflag:s11], $0x2780  }
0x1cf: {  	s20 =	simm.s32 @!p0 $0xC480;
	[sflag:s11] =	ssyncset.done $0x0  }
0x1d0: {  	s2 =	simm.s32 @!p0 $0x0;
	s21 =	rddreg [dreg:$0x6];
	[sflag:s11] =	ssyncadd.s32 $0xFFFFD880  }
0x1d1: {  	[hbm4b:s21+s2] =	stream.linear.scatter @!p0 [tilespmem:s20], [sflag:$0x6], $0x2710, $0x38;
	[tilespmem:$0x1DF80] =	vst v63  }
0x1d2: {  	s2 =	simm.s32 @!p0 $0x6  }
0x1d3: {  	_ =	swait.ge @!p0 [sflag:s2], $0x2710  }
0x1d4: {  	s19 =	sadd.s32 $0x1, s19;
	s25 =	rddreg [dreg:$0x18]  }
0x1d5: {  	p1 =	sne.s32 s19, s25  }
.Ltmp6:
0x1d6: {  	_ = 	snop;
	(pc) =	sbr.rel @p1 .LBB2_1-.Ltmp6, $3  }
0x1d7: {  	_ =	sdelay $0x1  }
0x1d8: {  	[sflag:s2] =	ssyncset.done @!p0 $0x0  }
0x1d9: {  	s23 =	simm.s32 $0x4E80;
	[sflag:s2] =	ssyncadd.s32 @!p0 $0xFFFFD8F0  }
0x1da: {  	_ =	sfence.sel $0x180000  }
0x1db: {  	[bflag:$0x0] =	sbarrier.arrive $0xFFFF  }
0x1dc: {  	_ =	strace $0x90000047  }
0x1dd: {  	s0 =	stileid.u32;
	[bflag:$0x2] =	sbarrier.arrive $0xFFFF  }
0x1de: {  	p0 =	sne.s32 s0, $0x0;
	s0 =	rddreg [dreg:$0x4]  }
0x1df: {  	s0 =	sadd.s32 @!p0 $0x100000, s0  }
0x1e0: {  	[sflag:s0] =	ssyncadd.tile.s32 @!p0 $0x1;
	_ =	shalt  }
.Lfunc_end2:
_tile_overlayer_lowered:
.L_overlay_start_2:
0x1e1: {  	(tag) =	ssettag $0x2  }
0x1e2: {  	s0 =	rddreg [dreg:$0x0];
	s2 =	stileid.u32  }
0x1e3: {  	s1 =	rddreg [dreg:$0x1];
	p0 =	sne.s32 s2, $0x0  }
0x1e4: {  	s3 =	rddreg [dreg:$0x2];
	[bflag:$0x3] =	sbarrier.arrive $0xFFFF;
	s2 =	simm.s32 @!p0 $0x1C06  }
0x1e5: {  	[timem:s3], [sflag:s2] =	dma.local @!p0 [hbm:s0], s1  }
0x1e6: {  	s0 =	simm.s32 @!p0 $0x6  }
0x1e7: {  	_ =	swait.ge @!p0 [sflag:s0], s1  }
0x1e8: {  	s1 =	ssub.s32 @!p0 $0x0, s1;
	[sflag:s0] =	ssyncset.done @!p0 $0x0  }
0x1e9: {  	[sflag:s0] =	ssyncadd.s32 @!p0 s1  }
0x1ea: {  	[bflag:$0x3] =	sbarrier.arrive $0xFFFF  }
0x1eb: {  	_ =	shalt  }

</sc_bundles>
